<compile_context>
chip_gen: v7x
topology: tpu7x:2x2x1
jax: 0.10.2.dev20260603
libtpu: 0.0.44.dev20260713+nightly
codegen_flags: <defaults>
</compile_context>

<pallas_src>
import functools

import jax
import jax.numpy as jnp
from jax import lax
from jax.experimental import pallas as pl
from jax.experimental.pallas import tpu as pltpu
from jax.experimental.pallas import tpu_sc as plsc

N = 32768
DIM = 64
N_SYN = 512
N_SEM = 1024
CTX = 3.0
COMMIT = 0.25
LN_EPS = 1e-5

BLK = 1024


def _ln_cols(x):
    m = jnp.mean(x, axis=0, keepdims=True)
    v = jnp.mean((x - m) ** 2, axis=0, keepdims=True)
    return (x - m) / jnp.sqrt(v + LN_EPS)


def _segment(dd, c, zsq, k):
    cbn = dd.shape[1]
    inv_k = 1.0 / k
    md = jnp.sum(dd, axis=0, keepdims=True) * inv_k
    vd = jnp.maximum(jnp.sum(dd * dd, axis=0, keepdims=True) * inv_k - md * md,
                     0.0)
    rd = jax.lax.rsqrt(vd + LN_EPS)
    mc = jnp.sum(c, axis=0, keepdims=True) * inv_k
    vc = jnp.maximum(jnp.sum(c * c, axis=0, keepdims=True) * inv_k - mc * mc,
                     0.0)
    rc = jax.lax.rsqrt(vc + LN_EPS) * CTX

    t = dd * rd - c * rc
    idx = jnp.argmin(t, axis=0)
    idx_pure = jnp.argmin(dd, axis=0)

    iota = jax.lax.broadcasted_iota(jnp.int32, (k, cbn), 0)
    ddsel = jnp.sum(jnp.where(iota == idx[None, :], dd, 0.0), axis=0)
    loss = ((1.0 + COMMIT) / DIM) * (ddsel + zsq)
    flags = (idx != idx_pure).astype(jnp.float32)
    divpart = jnp.sum(flags.reshape(-1, 128), axis=0)[None, :]
    return loss, idx.astype(jnp.int32), divpart


def _vq_kernel(zf_ref, zs_ref, cbbd_ref,
               W1bd, b1c, g1c, be1c, W2bd, b2c, Wpbd, bpc,
               loss_syn_ref, loss_sem_ref,
               idx_syn_ref, idx_sem_ref, div_syn_ref, div_sem_ref,
               csq_ref):
    @pl.when(pl.program_id(0) == 0)
    def _():
        csq_ref[...] = jnp.sum(cbbd_ref[...] ** 2, axis=1, keepdims=True)

    zcat = jnp.concatenate([zf_ref[...].T, zs_ref[...].T], axis=0)

    h = jnp.dot(W1bd[...], zcat, preferred_element_type=jnp.float32) + b1c[...]
    h = jnp.concatenate([_ln_cols(h[:DIM]), _ln_cols(h[DIM:])], axis=0)
    h = jnp.maximum(h * g1c[...] + be1c[...], 0.0)
    h = jnp.maximum(
        jnp.dot(W2bd[...], h, preferred_element_type=jnp.float32) + b2c[...],
        0.0)
    c = jnp.dot(Wpbd[...], h, preferred_element_type=jnp.float32) + bpc[...]

    dd = csq_ref[...] - 2.0 * jnp.dot(cbbd_ref[...], zcat,
                                      preferred_element_type=jnp.float32)

    zsq_f = jnp.sum(zcat[:DIM] ** 2, axis=0)
    zsq_s = jnp.sum(zcat[DIM:] ** 2, axis=0)

    loss_s, idx_s, cnt_s = _segment(dd[:N_SYN], c[:N_SYN], zsq_f, N_SYN)
    loss_m, idx_m, cnt_m = _segment(dd[N_SYN:], c[N_SYN:], zsq_s, N_SEM)

    loss_syn_ref[...] = loss_s
    loss_sem_ref[...] = loss_m
    idx_syn_ref[...] = idx_s
    idx_sem_ref[...] = idx_m

    @pl.when(pl.program_id(0) == 0)
    def _():
        div_syn_ref[...] = jnp.zeros_like(div_syn_ref)
        div_sem_ref[...] = jnp.zeros_like(div_sem_ref)

    div_syn_ref[...] += cnt_s * (1.0 / N)
    div_sem_ref[...] += cnt_m * (1.0 / N)


def _sc_gather(cb_syn, cb_sem, idx_syn, idx_sem):
    rows = idx_syn.shape[0]
    info = plsc.get_sparse_core_info()
    nw = info.num_cores * info.num_subcores
    b_per_w = rows // nw
    n_chunks = 2
    ch = b_per_w // n_chunks
    mesh = plsc.VectorSubcoreMesh(core_axis_name="c", subcore_axis_name="s")

    cbs_pad = jnp.pad(cb_syn, ((0, 0), (0, 128 - DIM)))
    cbm_pad = jnp.pad(cb_sem, ((0, 0), (0, 128 - DIM)))

    @functools.partial(
        pl.kernel,
        mesh=mesh,
        out_type=[
            jax.ShapeDtypeStruct((rows, 128), jnp.float32),
            jax.ShapeDtypeStruct((rows, 128), jnp.float32),
        ],
        scratch_types=[
            pltpu.VMEM((ch,), jnp.int32),
            pltpu.VMEM((ch,), jnp.int32),
            pltpu.VMEM((ch, 128), jnp.float32),
            pltpu.VMEM((ch, 128), jnp.float32),
            pltpu.SemaphoreType.DMA,
            pltpu.SemaphoreType.DMA,
        ],
    )
    def gather_k(cbs_hbm, cbm_hbm, idxs_hbm, idxm_hbm, zqs_hbm, zqm_hbm,
                 idx_v0, idx_v1, rows_v0, rows_v1, sem0, sem1):
        wid = lax.axis_index("s") * info.num_cores + lax.axis_index("c")
        base = wid * b_per_w
        tasks = []
        for c in range(n_chunks):
            tasks.append((idxs_hbm, cbs_hbm, zqs_hbm, c * ch))
            tasks.append((idxm_hbm, cbm_hbm, zqm_hbm, c * ch))
        idx_bufs = (idx_v0, idx_v1)
        row_bufs = (rows_v0, rows_v1)
        sems = (sem0, sem1)
        copies = [None, None]
        for t, (idx_hbm, cb_hbm, zq_hbm, off) in enumerate(tasks):
            s = t % 2
            pltpu.sync_copy(idx_hbm.at[pl.ds(base + off, ch)], idx_bufs[s])
            copies[s] = pltpu.async_copy(cb_hbm.at[idx_bufs[s]], row_bufs[s],
                                         sems[s])
            if t > 0:
                p, (_, _, pzq, poff) = (t - 1) % 2, tasks[t - 1]
                copies[p].wait()
                pltpu.sync_copy(row_bufs[p], pzq.at[pl.ds(base + poff, ch)])
        t = len(tasks) - 1
        copies[t % 2].wait()
        pltpu.sync_copy(row_bufs[t % 2],
                        tasks[t][2].at[pl.ds(base + tasks[t][3], ch)])

    zqs_pad, zqm_pad = gather_k(cbs_pad, cbm_pad, idx_syn, idx_sem)
    return zqs_pad[:, :DIM], zqm_pad[:, :DIM]


def _tc_vq(z_fast, z_slow, cb_syn, cb_sem,
           syn_W1, syn_b1, syn_g1, syn_be1, syn_W2, syn_b2, syn_Wp, syn_bp,
           sem_W1, sem_b1, sem_g1, sem_be1, sem_W2, sem_b2, sem_Wp, sem_bp):
    rows = z_fast.shape[0]
    grid = (rows // BLK,)
    KK = N_SYN + N_SEM
    D2 = 2 * DIM

    cbbd = jnp.zeros((KK, D2), jnp.float32)
    cbbd = cbbd.at[:N_SYN, :DIM].set(cb_syn).at[N_SYN:, DIM:].set(cb_sem)
    W1bd = jnp.zeros((D2, D2), jnp.float32)
    W1bd = W1bd.at[:DIM, :DIM].set(syn_W1.T).at[DIM:, DIM:].set(sem_W1.T)
    W2bd = jnp.zeros((DIM, D2), jnp.float32)
    W2bd = (W2bd.at[:DIM // 2, :DIM].set(syn_W2.T)
            .at[DIM // 2:, DIM:].set(sem_W2.T))
    Wpbd = jnp.zeros((KK, DIM), jnp.float32)
    Wpbd = (Wpbd.at[:N_SYN, :DIM // 2].set(syn_Wp.T)
            .at[N_SYN:, DIM // 2:].set(sem_Wp.T))
    b1c = jnp.concatenate([syn_b1, sem_b1])[:, None]
    g1c = jnp.concatenate([syn_g1, sem_g1])[:, None]
    be1c = jnp.concatenate([syn_be1, sem_be1])[:, None]
    b2c = jnp.concatenate([syn_b2, sem_b2])[:, None]
    bpc = jnp.concatenate([syn_bp, sem_bp])[:, None]

    row_spec = pl.BlockSpec((BLK, DIM), lambda i: (i, 0))
    full = lambda shape: pl.BlockSpec(shape, lambda i: (0,) * len(shape))

    in_specs = [
        row_spec, row_spec,
        full((KK, D2)),
        full((D2, D2)), full((D2, 1)), full((D2, 1)), full((D2, 1)),
        full((DIM, D2)), full((DIM, 1)),
        full((KK, DIM)), full((KK, 1)),
    ]
    out_specs = [
        pl.BlockSpec((BLK,), lambda i: (i,)),
        pl.BlockSpec((BLK,), lambda i: (i,)),
        pl.BlockSpec((BLK,), lambda i: (i,)),
        pl.BlockSpec((BLK,), lambda i: (i,)),
        pl.BlockSpec((1, 128), lambda i: (0, 0)),
        pl.BlockSpec((1, 128), lambda i: (0, 0)),
    ]
    out_shapes = [
        jax.ShapeDtypeStruct((rows,), jnp.float32),
        jax.ShapeDtypeStruct((rows,), jnp.float32),
        jax.ShapeDtypeStruct((rows,), jnp.int32),
        jax.ShapeDtypeStruct((rows,), jnp.int32),
        jax.ShapeDtypeStruct((1, 128), jnp.float32),
        jax.ShapeDtypeStruct((1, 128), jnp.float32),
    ]

    return pl.pallas_call(
        _vq_kernel,
        grid=grid,
        in_specs=in_specs,
        out_specs=out_specs,
        out_shape=out_shapes,
        scratch_shapes=[
            pltpu.VMEM((KK, 1), jnp.float32),
        ],
    )(z_fast, z_slow, cbbd, W1bd, b1c, g1c, be1c, W2bd, b2c, Wpbd, bpc)


N_HALVES = 4


def kernel(z_fast, z_slow, cb_syn, cb_sem,
           syn_W1, syn_b1, syn_g1, syn_be1, syn_W2, syn_b2, syn_Wp, syn_bp,
           sem_W1, sem_b1, sem_g1, sem_be1, sem_W2, sem_b2, sem_Wp, sem_bp,
           update_graph):
    gw = (syn_W1, syn_b1, syn_g1, syn_be1, syn_W2, syn_b2, syn_Wp, syn_bp,
          sem_W1, sem_b1, sem_g1, sem_be1, sem_W2, sem_b2, sem_Wp, sem_bp)
    hr = N // N_HALVES
    parts = []
    for h in range(N_HALVES):
        sl = slice(h * hr, (h + 1) * hr)
        loss_syn, loss_sem, idx_syn, idx_sem, div_syn, div_sem = _tc_vq(
            z_fast[sl], z_slow[sl], cb_syn, cb_sem, *gw)
        zq_syn, zq_sem = _sc_gather(cb_syn, cb_sem, idx_syn, idx_sem)
        parts.append((zq_syn, zq_sem, loss_syn, loss_sem, idx_syn, idx_sem,
                      div_syn, div_sem))

    cat = lambda i: jnp.concatenate([p[i] for p in parts], axis=0)
    div_syn = sum(jnp.sum(p[6]) for p in parts)
    div_sem = sum(jnp.sum(p[7]) for p in parts)
    return (cat(0), cat(1), cat(2), cat(3), cat(4), cat(5), div_syn, div_sem)

# --- scband reference (transcript-rebuilt; emitter-appended) ---
"""Pipeline reference for scband-enhanced-context-aware-dual-vq-24902220382739 (READ-ONLY COPY).

The authoritative reference and input builder live on the scoring server;
editing this copy changes nothing except your own understanding.
"""

import jax, jax.numpy as jnp
import numpy as np

N = 32768
DIM = 64
N_SYN = 512
N_SEM = 1024
CTX = 3.0
COMMIT = 0.25
LN_EPS = 1e-5


def _ln(x):
    m = jnp.mean(x, axis=-1, keepdims=True)
    v = jnp.var(x, axis=-1, keepdims=True)
    return (x - m) / jnp.sqrt(v + LN_EPS)


def _gate(x, W1, b1, g1, be1, W2, b2, Wp, bp):
    h = x @ W1 + b1
    h = _ln(h) * g1 + be1
    h = jax.nn.relu(h)
    h = jax.nn.relu(h @ W2 + b2)
    return h @ Wp + bp


def _vq(z_flat, cb, gp):
    d_sq = jnp.sum(z_flat ** 2, axis=1, keepdims=True) + jnp.sum(cb ** 2, axis=1) - 2.0 * (z_flat @ cb.T)
    logits = _ln(-jnp.clip(d_sq, 0.0, 10000.0))
    ctx = _ln(_gate(z_flat, *gp))
    total = logits + CTX * ctx
    idx = jnp.argmax(total, axis=1)
    z_q = jnp.take(cb, idx, axis=0)
    idx_pure = jnp.argmax(logits, axis=1)
    div = jnp.mean((idx != idx_pure).astype(jnp.float32))
    loss = jnp.mean((jax.lax.stop_gradient(z_q) - z_flat) ** 2, axis=-1) + COMMIT * jnp.mean((z_q - jax.lax.stop_gradient(z_flat)) ** 2, axis=-1)
    z_q_st = z_flat + jax.lax.stop_gradient(z_q - z_flat)
    return z_q_st, loss, idx, div


def setup_inputs(seed: int = 0):
    key = jax.random.key(seed)
    ks = jax.random.split(key, 12)
    inp = {
        "z_fast": jax.random.normal(ks[0], (N, DIM), jnp.float32),
        "z_slow": jax.random.normal(ks[1], (N, DIM), jnp.float32),
        "cb_syn": jax.random.normal(ks[2], (N_SYN, DIM), jnp.float32),
        "cb_sem": jax.random.normal(ks[3], (N_SEM, DIM), jnp.float32),
    }

    def gate_params(k, n_sym, prefix):
        kk = jax.random.split(k, 3)
        inp[prefix + "W1"] = jax.random.normal(kk[0], (DIM, DIM), jnp.float32) * 0.05
        inp[prefix + "b1"] = jnp.zeros((DIM,), jnp.float32)
        inp[prefix + "g1"] = jnp.ones((DIM,), jnp.float32)
        inp[prefix + "be1"] = jnp.zeros((DIM,), jnp.float32)
        inp[prefix + "W2"] = jax.random.normal(kk[1], (DIM, DIM // 2), jnp.float32) * 0.05
        inp[prefix + "b2"] = jnp.zeros((DIM // 2,), jnp.float32)
        inp[prefix + "Wp"] = jax.random.normal(kk[2], (DIM // 2, n_sym), jnp.float32) * 0.05
        inp[prefix + "bp"] = jnp.zeros((n_sym,), jnp.float32)

    gate_params(ks[4], N_SYN, "syn_")
    gate_params(ks[5], N_SEM, "sem_")
    inp["update_graph"] = 0
    return inp


def reference(z_fast, z_slow, cb_syn, cb_sem, syn_W1, syn_b1, syn_g1, syn_be1, syn_W2, syn_b2, syn_Wp, syn_bp, sem_W1, sem_b1, sem_g1, sem_be1, sem_W2, sem_b2, sem_Wp, sem_bp, update_graph):
    gp_syn = (syn_W1, syn_b1, syn_g1, syn_be1, syn_W2, syn_b2, syn_Wp, syn_bp)
    gp_sem = (sem_W1, sem_b1, sem_g1, sem_be1, sem_W2, sem_b2, sem_Wp, sem_bp)
    zq_syn, loss_syn, idx_syn, div_syn = _vq(z_fast, cb_syn, gp_syn)
    zq_sem, loss_sem, idx_sem, div_sem = _vq(z_slow, cb_sem, gp_sem)
    return (zq_syn, zq_sem, loss_syn, loss_sem, idx_syn, idx_sem, div_syn, div_sem)

if __name__ == "__main__":
    import jax
    _d = setup_inputs()
    print(jax.jit(kernel)(*tuple(_d.values())))

</pallas_src>

<mosaic_0001>
#map = affine_map<(d0, d1) -> (0, 0)>
#map1 = affine_map<(d0, d1) -> (0)>
module attributes {stable_mosaic.version = 14 : i64} {
  func.func @gather_k(%arg0: i32, %arg1: i32, %arg2: memref<512x128xf32, #tpu.memory_space<hbm>>, %arg3: memref<1024x128xf32, #tpu.memory_space<hbm>>, %arg4: memref<8192xi32, #tpu.memory_space<hbm>>, %arg5: memref<8192xi32, #tpu.memory_space<hbm>>, %arg6: memref<8192x128xf32, #tpu.memory_space<hbm>>, %arg7: memref<8192x128xf32, #tpu.memory_space<hbm>>, %arg8: memref<128xi32, #tpu.memory_space<vmem>>, %arg9: memref<128xi32, #tpu.memory_space<vmem>>, %arg10: memref<128x128xf32, #tpu.memory_space<vmem>>, %arg11: memref<128x128xf32, #tpu.memory_space<vmem>>, %arg12: memref<!tpu.dma_semaphore, #tpu.memory_space<semaphore_mem>>, %arg13: memref<!tpu.dma_semaphore, #tpu.memory_space<semaphore_mem>>) attributes {dimension_semantics = [#tpu.dimension_semantics<core_parallel>, #tpu.dimension_semantics<subcore_parallel>], iteration_bounds = array<i64: 2, 16>, scalar_prefetch = 0 : i64, scratch_operands = 6 : i64, tpu.core_type = #tpu.core_type<sc_vector_subcore>, window_params = [{transform_indices = #map}, {transform_indices = #map}, {transform_indices = #map1}, {transform_indices = #map1}, {transform_indices = #map}, {transform_indices = #map}]} {
    %mul3A = arith.constant 2 : i32
    %mul3A_0 = arith.muli %arg1, %mul3A : i32
    %add3A = arith.addi %mul3A_0, %arg0 : i32
    %mul3A_1 = arith.constant 256 : i32
    %mul3A_2 = arith.muli %add3A, %mul3A_1 : i32
    %add3A_3 = arith.constant 0 : i32
    %add3A_4 = arith.addi %mul3A_2, %add3A_3 : i32
    "tpu.region"() ({
      %run_scoped3A = tpu.sem_alloc : memref<!tpu.dma_semaphore, #tpu.memory_space<semaphore_mem>>
      %dma_start3A_41 = tpu.memref_slice %arg4[%add3A_4] : memref<8192xi32, #tpu.memory_space<hbm>> -> memref<128xi32, #tpu.memory_space<hbm>>
      %dma_start3A_42 = tpu.memref_slice %arg4[%add3A_4] : memref<8192xi32, #tpu.memory_space<hbm>> -> memref<128xi32, #tpu.memory_space<hbm>>
      tpu.enqueue_dma source(%dma_start3A_42 : memref<128xi32, #tpu.memory_space<hbm>>) target(%arg8 : memref<128xi32, #tpu.memory_space<vmem>>) target_semaphore(%run_scoped3A : memref<!tpu.dma_semaphore, #tpu.memory_space<semaphore_mem>>)
      %dma_wait3A_43 = tpu.memref_slice %arg4[%add3A_4] : memref<8192xi32, #tpu.memory_space<hbm>> -> memref<128xi32, #tpu.memory_space<hbm>>
      %dma_wait3A_44 = tpu.memref_slice %arg4[%add3A_4] : memref<8192xi32, #tpu.memory_space<hbm>> -> memref<128xi32, #tpu.memory_space<hbm>>
      tpu.wait_dma2 semaphore(%run_scoped3A : memref<!tpu.dma_semaphore, #tpu.memory_space<semaphore_mem>>) src(%dma_wait3A_44 : memref<128xi32, #tpu.memory_space<hbm>>) dst(%arg8 : memref<128xi32, #tpu.memory_space<vmem>>)
      tpu.yield
    }) : () -> ()
    %dma_start3A = arith.constant 0 : i32
    %dma_start3A_5 = arith.constant 0 : i32
    %dma_start3A_6 = tpu.memref_slice %arg2[%dma_start3A, %dma_start3A_5] : memref<512x128xf32, #tpu.memory_space<hbm>> -> memref<512x128xf32, #tpu.memory_space<hbm>>
    tpu.enqueue_indirect_dma source(%dma_start3A_6 : memref<512x128xf32, #tpu.memory_space<hbm>>) target(%arg10 : memref<128x128xf32, #tpu.memory_space<vmem>>) offsets(%arg8 : memref<128xi32, #tpu.memory_space<vmem>>) semaphore(%arg12 : memref<!tpu.dma_semaphore, #tpu.memory_space<semaphore_mem>>)
    %add3A_7 = arith.constant 0 : i32
    %add3A_8 = arith.addi %mul3A_2, %add3A_7 : i32
    "tpu.region"() ({
      %run_scoped3A = tpu.sem_alloc : memref<!tpu.dma_semaphore, #tpu.memory_space<semaphore_mem>>
      %dma_start3A_41 = tpu.memref_slice %arg5[%add3A_8] : memref<8192xi32, #tpu.memory_space<hbm>> -> memref<128xi32, #tpu.memory_space<hbm>>
      %dma_start3A_42 = tpu.memref_slice %arg5[%add3A_8] : memref<8192xi32, #tpu.memory_space<hbm>> -> memref<128xi32, #tpu.memory_space<hbm>>
      tpu.enqueue_dma source(%dma_start3A_42 : memref<128xi32, #tpu.memory_space<hbm>>) target(%arg9 : memref<128xi32, #tpu.memory_space<vmem>>) target_semaphore(%run_scoped3A : memref<!tpu.dma_semaphore, #tpu.memory_space<semaphore_mem>>)
      %dma_wait3A_43 = tpu.memref_slice %arg5[%add3A_8] : memref<8192xi32, #tpu.memory_space<hbm>> -> memref<128xi32, #tpu.memory_space<hbm>>
      %dma_wait3A_44 = tpu.memref_slice %arg5[%add3A_8] : memref<8192xi32, #tpu.memory_space<hbm>> -> memref<128xi32, #tpu.memory_space<hbm>>
      tpu.wait_dma2 semaphore(%run_scoped3A : memref<!tpu.dma_semaphore, #tpu.memory_space<semaphore_mem>>) src(%dma_wait3A_44 : memref<128xi32, #tpu.memory_space<hbm>>) dst(%arg9 : memref<128xi32, #tpu.memory_space<vmem>>)
      tpu.yield
    }) : () -> ()
    %dma_start3A_9 = arith.constant 0 : i32
    %dma_start3A_10 = arith.constant 0 : i32
    %dma_start3A_11 = tpu.memref_slice %arg3[%dma_start3A_9, %dma_start3A_10] : memref<1024x128xf32, #tpu.memory_space<hbm>> -> memref<1024x128xf32, #tpu.memory_space<hbm>>
    tpu.enqueue_indirect_dma source(%dma_start3A_11 : memref<1024x128xf32, #tpu.memory_space<hbm>>) target(%arg11 : memref<128x128xf32, #tpu.memory_space<vmem>>) offsets(%arg9 : memref<128xi32, #tpu.memory_space<vmem>>) semaphore(%arg13 : memref<!tpu.dma_semaphore, #tpu.memory_space<semaphore_mem>>)
    %dma_wait3A = arith.constant 0 : i32
    %dma_wait3A_12 = arith.constant 0 : i32
    %dma_wait3A_13 = tpu.memref_slice %arg2[%dma_wait3A, %dma_wait3A_12] : memref<512x128xf32, #tpu.memory_space<hbm>> -> memref<512x128xf32, #tpu.memory_space<hbm>>
    tpu.wait_indirect_dma semaphore(%arg12 : memref<!tpu.dma_semaphore, #tpu.memory_space<semaphore_mem>>) src(%dma_wait3A_13 : memref<512x128xf32, #tpu.memory_space<hbm>>) dst(%arg10 : memref<128x128xf32, #tpu.memory_space<vmem>>)
    %add3A_14 = arith.constant 0 : i32
    %add3A_15 = arith.addi %mul3A_2, %add3A_14 : i32
    "tpu.region"() ({
      %run_scoped3A = tpu.sem_alloc : memref<!tpu.dma_semaphore, #tpu.memory_space<semaphore_mem>>
      %dma_start3A_41 = arith.constant 0 : i32
      %dma_start3A_42 = tpu.memref_slice %arg6[%add3A_15, %dma_start3A_41] : memref<8192x128xf32, #tpu.memory_space<hbm>> -> memref<128x128xf32, #tpu.memory_space<hbm>>
      %dma_start3A_43 = arith.constant 0 : i32
      %dma_start3A_44 = tpu.memref_slice %arg6[%add3A_15, %dma_start3A_43] : memref<8192x128xf32, #tpu.memory_space<hbm>> -> memref<128x128xf32, #tpu.memory_space<hbm>>
      tpu.enqueue_dma source(%arg10 : memref<128x128xf32, #tpu.memory_space<vmem>>) target(%dma_start3A_44 : memref<128x128xf32, #tpu.memory_space<hbm>>) target_semaphore(%run_scoped3A : memref<!tpu.dma_semaphore, #tpu.memory_space<semaphore_mem>>)
      %dma_wait3A_45 = arith.constant 0 : i32
      %dma_wait3A_46 = tpu.memref_slice %arg6[%add3A_15, %dma_wait3A_45] : memref<8192x128xf32, #tpu.memory_space<hbm>> -> memref<128x128xf32, #tpu.memory_space<hbm>>
      %dma_wait3A_47 = arith.constant 0 : i32
      %dma_wait3A_48 = tpu.memref_slice %arg6[%add3A_15, %dma_wait3A_47] : memref<8192x128xf32, #tpu.memory_space<hbm>> -> memref<128x128xf32, #tpu.memory_space<hbm>>
      tpu.wait_dma2 semaphore(%run_scoped3A : memref<!tpu.dma_semaphore, #tpu.memory_space<semaphore_mem>>) src(%arg10 : memref<128x128xf32, #tpu.memory_space<vmem>>) dst(%dma_wait3A_48 : memref<128x128xf32, #tpu.memory_space<hbm>>)
      tpu.yield
    }) : () -> ()
    %add3A_16 = arith.constant 128 : i32
    %add3A_17 = arith.addi %mul3A_2, %add3A_16 : i32
    "tpu.region"() ({
      %run_scoped3A = tpu.sem_alloc : memref<!tpu.dma_semaphore, #tpu.memory_space<semaphore_mem>>
      %dma_start3A_41 = tpu.memref_slice %arg4[%add3A_17] : memref<8192xi32, #tpu.memory_space<hbm>> -> memref<128xi32, #tpu.memory_space<hbm>>
      %dma_start3A_42 = tpu.memref_slice %arg4[%add3A_17] : memref<8192xi32, #tpu.memory_space<hbm>> -> memref<128xi32, #tpu.memory_space<hbm>>
      tpu.enqueue_dma source(%dma_start3A_42 : memref<128xi32, #tpu.memory_space<hbm>>) target(%arg8 : memref<128xi32, #tpu.memory_space<vmem>>) target_semaphore(%run_scoped3A : memref<!tpu.dma_semaphore, #tpu.memory_space<semaphore_mem>>)
      %dma_wait3A_43 = tpu.memref_slice %arg4[%add3A_17] : memref<8192xi32, #tpu.memory_space<hbm>> -> memref<128xi32, #tpu.memory_space<hbm>>
      %dma_wait3A_44 = tpu.memref_slice %arg4[%add3A_17] : memref<8192xi32, #tpu.memory_space<hbm>> -> memref<128xi32, #tpu.memory_space<hbm>>
      tpu.wait_dma2 semaphore(%run_scoped3A : memref<!tpu.dma_semaphore, #tpu.memory_space<semaphore_mem>>) src(%dma_wait3A_44 : memref<128xi32, #tpu.memory_space<hbm>>) dst(%arg8 : memref<128xi32, #tpu.memory_space<vmem>>)
      tpu.yield
    }) : () -> ()
    %dma_start3A_18 = arith.constant 0 : i32
    %dma_start3A_19 = arith.constant 0 : i32
    %dma_start3A_20 = tpu.memref_slice %arg2[%dma_start3A_18, %dma_start3A_19] : memref<512x128xf32, #tpu.memory_space<hbm>> -> memref<512x128xf32, #tpu.memory_space<hbm>>
    tpu.enqueue_indirect_dma source(%dma_start3A_20 : memref<512x128xf32, #tpu.memory_space<hbm>>) target(%arg10 : memref<128x128xf32, #tpu.memory_space<vmem>>) offsets(%arg8 : memref<128xi32, #tpu.memory_space<vmem>>) semaphore(%arg12 : memref<!tpu.dma_semaphore, #tpu.memory_space<semaphore_mem>>)
    %dma_wait3A_21 = arith.constant 0 : i32
    %dma_wait3A_22 = arith.constant 0 : i32
    %dma_wait3A_23 = tpu.memref_slice %arg3[%dma_wait3A_21, %dma_wait3A_22] : memref<1024x128xf32, #tpu.memory_space<hbm>> -> memref<1024x128xf32, #tpu.memory_space<hbm>>
    tpu.wait_indirect_dma semaphore(%arg13 : memref<!tpu.dma_semaphore, #tpu.memory_space<semaphore_mem>>) src(%dma_wait3A_23 : memref<1024x128xf32, #tpu.memory_space<hbm>>) dst(%arg11 : memref<128x128xf32, #tpu.memory_space<vmem>>)
    %add3A_24 = arith.constant 0 : i32
    %add3A_25 = arith.addi %mul3A_2, %add3A_24 : i32
    "tpu.region"() ({
      %run_scoped3A = tpu.sem_alloc : memref<!tpu.dma_semaphore, #tpu.memory_space<semaphore_mem>>
      %dma_start3A_41 = arith.constant 0 : i32
      %dma_start3A_42 = tpu.memref_slice %arg7[%add3A_25, %dma_start3A_41] : memref<8192x128xf32, #tpu.memory_space<hbm>> -> memref<128x128xf32, #tpu.memory_space<hbm>>
      %dma_start3A_43 = arith.constant 0 : i32
      %dma_start3A_44 = tpu.memref_slice %arg7[%add3A_25, %dma_start3A_43] : memref<8192x128xf32, #tpu.memory_space<hbm>> -> memref<128x128xf32, #tpu.memory_space<hbm>>
      tpu.enqueue_dma source(%arg11 : memref<128x128xf32, #tpu.memory_space<vmem>>) target(%dma_start3A_44 : memref<128x128xf32, #tpu.memory_space<hbm>>) target_semaphore(%run_scoped3A : memref<!tpu.dma_semaphore, #tpu.memory_space<semaphore_mem>>)
      %dma_wait3A_45 = arith.constant 0 : i32
      %dma_wait3A_46 = tpu.memref_slice %arg7[%add3A_25, %dma_wait3A_45] : memref<8192x128xf32, #tpu.memory_space<hbm>> -> memref<128x128xf32, #tpu.memory_space<hbm>>
      %dma_wait3A_47 = arith.constant 0 : i32
      %dma_wait3A_48 = tpu.memref_slice %arg7[%add3A_25, %dma_wait3A_47] : memref<8192x128xf32, #tpu.memory_space<hbm>> -> memref<128x128xf32, #tpu.memory_space<hbm>>
      tpu.wait_dma2 semaphore(%run_scoped3A : memref<!tpu.dma_semaphore, #tpu.memory_space<semaphore_mem>>) src(%arg11 : memref<128x128xf32, #tpu.memory_space<vmem>>) dst(%dma_wait3A_48 : memref<128x128xf32, #tpu.memory_space<hbm>>)
      tpu.yield
    }) : () -> ()
    %add3A_26 = arith.constant 128 : i32
    %add3A_27 = arith.addi %mul3A_2, %add3A_26 : i32
    "tpu.region"() ({
      %run_scoped3A = tpu.sem_alloc : memref<!tpu.dma_semaphore, #tpu.memory_space<semaphore_mem>>
      %dma_start3A_41 = tpu.memref_slice %arg5[%add3A_27] : memref<8192xi32, #tpu.memory_space<hbm>> -> memref<128xi32, #tpu.memory_space<hbm>>
      %dma_start3A_42 = tpu.memref_slice %arg5[%add3A_27] : memref<8192xi32, #tpu.memory_space<hbm>> -> memref<128xi32, #tpu.memory_space<hbm>>
      tpu.enqueue_dma source(%dma_start3A_42 : memref<128xi32, #tpu.memory_space<hbm>>) target(%arg9 : memref<128xi32, #tpu.memory_space<vmem>>) target_semaphore(%run_scoped3A : memref<!tpu.dma_semaphore, #tpu.memory_space<semaphore_mem>>)
      %dma_wait3A_43 = tpu.memref_slice %arg5[%add3A_27] : memref<8192xi32, #tpu.memory_space<hbm>> -> memref<128xi32, #tpu.memory_space<hbm>>
      %dma_wait3A_44 = tpu.memref_slice %arg5[%add3A_27] : memref<8192xi32, #tpu.memory_space<hbm>> -> memref<128xi32, #tpu.memory_space<hbm>>
      tpu.wait_dma2 semaphore(%run_scoped3A : memref<!tpu.dma_semaphore, #tpu.memory_space<semaphore_mem>>) src(%dma_wait3A_44 : memref<128xi32, #tpu.memory_space<hbm>>) dst(%arg9 : memref<128xi32, #tpu.memory_space<vmem>>)
      tpu.yield
    }) : () -> ()
    %dma_start3A_28 = arith.constant 0 : i32
    %dma_start3A_29 = arith.constant 0 : i32
    %dma_start3A_30 = tpu.memref_slice %arg3[%dma_start3A_28, %dma_start3A_29] : memref<1024x128xf32, #tpu.memory_space<hbm>> -> memref<1024x128xf32, #tpu.memory_space<hbm>>
    tpu.enqueue_indirect_dma source(%dma_start3A_30 : memref<1024x128xf32, #tpu.memory_space<hbm>>) target(%arg11 : memref<128x128xf32, #tpu.memory_space<vmem>>) offsets(%arg9 : memref<128xi32, #tpu.memory_space<vmem>>) semaphore(%arg13 : memref<!tpu.dma_semaphore, #tpu.memory_space<semaphore_mem>>)
    %dma_wait3A_31 = arith.constant 0 : i32
    %dma_wait3A_32 = arith.constant 0 : i32
    %dma_wait3A_33 = tpu.memref_slice %arg2[%dma_wait3A_31, %dma_wait3A_32] : memref<512x128xf32, #tpu.memory_space<hbm>> -> memref<512x128xf32, #tpu.memory_space<hbm>>
    tpu.wait_indirect_dma semaphore(%arg12 : memref<!tpu.dma_semaphore, #tpu.memory_space<semaphore_mem>>) src(%dma_wait3A_33 : memref<512x128xf32, #tpu.memory_space<hbm>>) dst(%arg10 : memref<128x128xf32, #tpu.memory_space<vmem>>)
    %add3A_34 = arith.constant 128 : i32
    %add3A_35 = arith.addi %mul3A_2, %add3A_34 : i32
    "tpu.region"() ({
      %run_scoped3A = tpu.sem_alloc : memref<!tpu.dma_semaphore, #tpu.memory_space<semaphore_mem>>
      %dma_start3A_41 = arith.constant 0 : i32
      %dma_start3A_42 = tpu.memref_slice %arg6[%add3A_35, %dma_start3A_41] : memref<8192x128xf32, #tpu.memory_space<hbm>> -> memref<128x128xf32, #tpu.memory_space<hbm>>
      %dma_start3A_43 = arith.constant 0 : i32
      %dma_start3A_44 = tpu.memref_slice %arg6[%add3A_35, %dma_start3A_43] : memref<8192x128xf32, #tpu.memory_space<hbm>> -> memref<128x128xf32, #tpu.memory_space<hbm>>
      tpu.enqueue_dma source(%arg10 : memref<128x128xf32, #tpu.memory_space<vmem>>) target(%dma_start3A_44 : memref<128x128xf32, #tpu.memory_space<hbm>>) target_semaphore(%run_scoped3A : memref<!tpu.dma_semaphore, #tpu.memory_space<semaphore_mem>>)
      %dma_wait3A_45 = arith.constant 0 : i32
      %dma_wait3A_46 = tpu.memref_slice %arg6[%add3A_35, %dma_wait3A_45] : memref<8192x128xf32, #tpu.memory_space<hbm>> -> memref<128x128xf32, #tpu.memory_space<hbm>>
      %dma_wait3A_47 = arith.constant 0 : i32
      %dma_wait3A_48 = tpu.memref_slice %arg6[%add3A_35, %dma_wait3A_47] : memref<8192x128xf32, #tpu.memory_space<hbm>> -> memref<128x128xf32, #tpu.memory_space<hbm>>
      tpu.wait_dma2 semaphore(%run_scoped3A : memref<!tpu.dma_semaphore, #tpu.memory_space<semaphore_mem>>) src(%arg10 : memref<128x128xf32, #tpu.memory_space<vmem>>) dst(%dma_wait3A_48 : memref<128x128xf32, #tpu.memory_space<hbm>>)
      tpu.yield
    }) : () -> ()
    %dma_wait3A_36 = arith.constant 0 : i32
    %dma_wait3A_37 = arith.constant 0 : i32
    %dma_wait3A_38 = tpu.memref_slice %arg3[%dma_wait3A_36, %dma_wait3A_37] : memref<1024x128xf32, #tpu.memory_space<hbm>> -> memref<1024x128xf32, #tpu.memory_space<hbm>>
    tpu.wait_indirect_dma semaphore(%arg13 : memref<!tpu.dma_semaphore, #tpu.memory_space<semaphore_mem>>) src(%dma_wait3A_38 : memref<1024x128xf32, #tpu.memory_space<hbm>>) dst(%arg11 : memref<128x128xf32, #tpu.memory_space<vmem>>)
    %add3A_39 = arith.constant 128 : i32
    %add3A_40 = arith.addi %mul3A_2, %add3A_39 : i32
    "tpu.region"() ({
      %run_scoped3A = tpu.sem_alloc : memref<!tpu.dma_semaphore, #tpu.memory_space<semaphore_mem>>
      %dma_start3A_41 = arith.constant 0 : i32
      %dma_start3A_42 = tpu.memref_slice %arg7[%add3A_40, %dma_start3A_41] : memref<8192x128xf32, #tpu.memory_space<hbm>> -> memref<128x128xf32, #tpu.memory_space<hbm>>
      %dma_start3A_43 = arith.constant 0 : i32
      %dma_start3A_44 = tpu.memref_slice %arg7[%add3A_40, %dma_start3A_43] : memref<8192x128xf32, #tpu.memory_space<hbm>> -> memref<128x128xf32, #tpu.memory_space<hbm>>
      tpu.enqueue_dma source(%arg11 : memref<128x128xf32, #tpu.memory_space<vmem>>) target(%dma_start3A_44 : memref<128x128xf32, #tpu.memory_space<hbm>>) target_semaphore(%run_scoped3A : memref<!tpu.dma_semaphore, #tpu.memory_space<semaphore_mem>>)
      %dma_wait3A_45 = arith.constant 0 : i32
      %dma_wait3A_46 = tpu.memref_slice %arg7[%add3A_40, %dma_wait3A_45] : memref<8192x128xf32, #tpu.memory_space<hbm>> -> memref<128x128xf32, #tpu.memory_space<hbm>>
      %dma_wait3A_47 = arith.constant 0 : i32
      %dma_wait3A_48 = tpu.memref_slice %arg7[%add3A_40, %dma_wait3A_47] : memref<8192x128xf32, #tpu.memory_space<hbm>> -> memref<128x128xf32, #tpu.memory_space<hbm>>
      tpu.wait_dma2 semaphore(%run_scoped3A : memref<!tpu.dma_semaphore, #tpu.memory_space<semaphore_mem>>) src(%arg11 : memref<128x128xf32, #tpu.memory_space<vmem>>) dst(%dma_wait3A_48 : memref<128x128xf32, #tpu.memory_space<hbm>>)
      tpu.yield
    }) : () -> ()
    return
  }
}

#map = affine_map<(d0, d1) -> (0, 0)>
#map1 = affine_map<(d0, d1) -> (0)>
module attributes {stable_mosaic.version = 14 : i64} {
  func.func @gather_k(%arg0: i32, %arg1: i32, %arg2: memref<512x128xf32, #tpu.memory_space<hbm>>, %arg3: memref<1024x128xf32, #tpu.memory_space<hbm>>, %arg4: memref<8192xi32, #tpu.memory_space<hbm>>, %arg5: memref<8192xi32, #tpu.memory_space<hbm>>, %arg6: memref<8192x128xf32, #tpu.memory_space<hbm>>, %arg7: memref<8192x128xf32, #tpu.memory_space<hbm>>, %arg8: memref<128xi32, #tpu.memory_space<vmem>>, %arg9: memref<128xi32, #tpu.memory_space<vmem>>, %arg10: memref<128x128xf32, #tpu.memory_space<vmem>>, %arg11: memref<128x128xf32, #tpu.memory_space<vmem>>, %arg12: memref<!tpu.dma_semaphore, #tpu.memory_space<semaphore_mem>>, %arg13: memref<!tpu.dma_semaphore, #tpu.memory_space<semaphore_mem>>) attributes {dimension_semantics = [#tpu.dimension_semantics<core_parallel>, #tpu.dimension_semantics<subcore_parallel>], iteration_bounds = array<i64: 2, 16>, scalar_prefetch = 0 : i64, scratch_operands = 6 : i64, tpu.core_type = #tpu.core_type<sc_vector_subcore>, window_params = [{transform_indices = #map}, {transform_indices = #map}, {transform_indices = #map1}, {transform_indices = #map1}, {transform_indices = #map}, {transform_indices = #map}]} {
    %mul3A = arith.constant 2 : i32
    %mul3A_0 = arith.muli %arg1, %mul3A : i32
    %add3A = arith.addi %mul3A_0, %arg0 : i32
    %mul3A_1 = arith.constant 256 : i32
    %mul3A_2 = arith.muli %add3A, %mul3A_1 : i32
    %add3A_3 = arith.constant 0 : i32
    %add3A_4 = arith.addi %mul3A_2, %add3A_3 : i32
    "tpu.region"() ({
      %run_scoped3A = tpu.sem_alloc : memref<!tpu.dma_semaphore, #tpu.memory_space<semaphore_mem>>
      %dma_start3A_41 = tpu.memref_slice %arg4[%add3A_4] : memref<8192xi32, #tpu.memory_space<hbm>> -> memref<128xi32, #tpu.memory_space<hbm>>
      %dma_start3A_42 = tpu.memref_slice %arg4[%add3A_4] : memref<8192xi32, #tpu.memory_space<hbm>> -> memref<128xi32, #tpu.memory_space<hbm>>
      tpu.enqueue_dma source(%dma_start3A_42 : memref<128xi32, #tpu.memory_space<hbm>>) target(%arg8 : memref<128xi32, #tpu.memory_space<vmem>>) target_semaphore(%run_scoped3A : memref<!tpu.dma_semaphore, #tpu.memory_space<semaphore_mem>>)
      %dma_wait3A_43 = tpu.memref_slice %arg4[%add3A_4] : memref<8192xi32, #tpu.memory_space<hbm>> -> memref<128xi32, #tpu.memory_space<hbm>>
      %dma_wait3A_44 = tpu.memref_slice %arg4[%add3A_4] : memref<8192xi32, #tpu.memory_space<hbm>> -> memref<128xi32, #tpu.memory_space<hbm>>
      tpu.wait_dma2 semaphore(%run_scoped3A : memref<!tpu.dma_semaphore, #tpu.memory_space<semaphore_mem>>) src(%dma_wait3A_44 : memref<128xi32, #tpu.memory_space<hbm>>) dst(%arg8 : memref<128xi32, #tpu.memory_space<vmem>>)
      tpu.yield
    }) : () -> ()
    %dma_start3A = arith.constant 0 : i32
    %dma_start3A_5 = arith.constant 0 : i32
    %dma_start3A_6 = tpu.memref_slice %arg2[%dma_start3A, %dma_start3A_5] : memref<512x128xf32, #tpu.memory_space<hbm>> -> memref<512x128xf32, #tpu.memory_space<hbm>>
    tpu.enqueue_indirect_dma source(%dma_start3A_6 : memref<512x128xf32, #tpu.memory_space<hbm>>) target(%arg10 : memref<128x128xf32, #tpu.memory_space<vmem>>) offsets(%arg8 : memref<128xi32, #tpu.memory_space<vmem>>) semaphore(%arg12 : memref<!tpu.dma_semaphore, #tpu.memory_space<semaphore_mem>>)
    %add3A_7 = arith.constant 0 : i32
    %add3A_8 = arith.addi %mul3A_2, %add3A_7 : i32
    "tpu.region"() ({
      %run_scoped3A = tpu.sem_alloc : memref<!tpu.dma_semaphore, #tpu.memory_space<semaphore_mem>>
      %dma_start3A_41 = tpu.memref_slice %arg5[%add3A_8] : memref<8192xi32, #tpu.memory_space<hbm>> -> memref<128xi32, #tpu.memory_space<hbm>>
      %dma_start3A_42 = tpu.memref_slice %arg5[%add3A_8] : memref<8192xi32, #tpu.memory_space<hbm>> -> memref<128xi32, #tpu.memory_space<hbm>>
      tpu.enqueue_dma source(%dma_start3A_42 : memref<128xi32, #tpu.memory_space<hbm>>) target(%arg9 : memref<128xi32, #tpu.memory_space<vmem>>) target_semaphore(%run_scoped3A : memref<!tpu.dma_semaphore, #tpu.memory_space<semaphore_mem>>)
      %dma_wait3A_43 = tpu.memref_slice %arg5[%add3A_8] : memref<8192xi32, #tpu.memory_space<hbm>> -> memref<128xi32, #tpu.memory_space<hbm>>
      %dma_wait3A_44 = tpu.memref_slice %arg5[%add3A_8] : memref<8192xi32, #tpu.memory_space<hbm>> -> memref<128xi32, #tpu.memory_space<hbm>>
      tpu.wait_dma2 semaphore(%run_scoped3A : memref<!tpu.dma_semaphore, #tpu.memory_space<semaphore_mem>>) src(%dma_wait3A_44 : memref<128xi32, #tpu.memory_space<hbm>>) dst(%arg9 : memref<128xi32, #tpu.memory_space<vmem>>)
      tpu.yield
    }) : () -> ()
    %dma_start3A_9 = arith.constant 0 : i32
    %dma_start3A_10 = arith.constant 0 : i32
    %dma_start3A_11 = tpu.memref_slice %arg3[%dma_start3A_9, %dma_start3A_10] : memref<1024x128xf32, #tpu.memory_space<hbm>> -> memref<1024x128xf32, #tpu.memory_space<hbm>>
    tpu.enqueue_indirect_dma source(%dma_start3A_11 : memref<1024x128xf32, #tpu.memory_space<hbm>>) target(%arg11 : memref<128x128xf32, #tpu.memory_space<vmem>>) offsets(%arg9 : memref<128xi32, #tpu.memory_space<vmem>>) semaphore(%arg13 : memref<!tpu.dma_semaphore, #tpu.memory_space<semaphore_mem>>)
    %dma_wait3A = arith.constant 0 : i32
    %dma_wait3A_12 = arith.constant 0 : i32
    %dma_wait3A_13 = tpu.memref_slice %arg2[%dma_wait3A, %dma_wait3A_12] : memref<512x128xf32, #tpu.memory_space<hbm>> -> memref<512x128xf32, #tpu.memory_space<hbm>>
    tpu.wait_indirect_dma semaphore(%arg12 : memref<!tpu.dma_semaphore, #tpu.memory_space<semaphore_mem>>) src(%dma_wait3A_13 : memref<512x128xf32, #tpu.memory_space<hbm>>) dst(%arg10 : memref<128x128xf32, #tpu.memory_space<vmem>>)
    %add3A_14 = arith.constant 0 : i32
    %add3A_15 = arith.addi %mul3A_2, %add3A_14 : i32
    "tpu.region"() ({
      %run_scoped3A = tpu.sem_alloc : memref<!tpu.dma_semaphore, #tpu.memory_space<semaphore_mem>>
      %dma_start3A_41 = arith.constant 0 : i32
      %dma_start3A_42 = tpu.memref_slice %arg6[%add3A_15, %dma_start3A_41] : memref<8192x128xf32, #tpu.memory_space<hbm>> -> memref<128x128xf32, #tpu.memory_space<hbm>>
      %dma_start3A_43 = arith.constant 0 : i32
      %dma_start3A_44 = tpu.memref_slice %arg6[%add3A_15, %dma_start3A_43] : memref<8192x128xf32, #tpu.memory_space<hbm>> -> memref<128x128xf32, #tpu.memory_space<hbm>>
      tpu.enqueue_dma source(%arg10 : memref<128x128xf32, #tpu.memory_space<vmem>>) target(%dma_start3A_44 : memref<128x128xf32, #tpu.memory_space<hbm>>) target_semaphore(%run_scoped3A : memref<!tpu.dma_semaphore, #tpu.memory_space<semaphore_mem>>)
      %dma_wait3A_45 = arith.constant 0 : i32
      %dma_wait3A_46 = tpu.memref_slice %arg6[%add3A_15, %dma_wait3A_45] : memref<8192x128xf32, #tpu.memory_space<hbm>> -> memref<128x128xf32, #tpu.memory_space<hbm>>
      %dma_wait3A_47 = arith.constant 0 : i32
      %dma_wait3A_48 = tpu.memref_slice %arg6[%add3A_15, %dma_wait3A_47] : memref<8192x128xf32, #tpu.memory_space<hbm>> -> memref<128x128xf32, #tpu.memory_space<hbm>>
      tpu.wait_dma2 semaphore(%run_scoped3A : memref<!tpu.dma_semaphore, #tpu.memory_space<semaphore_mem>>) src(%arg10 : memref<128x128xf32, #tpu.memory_space<vmem>>) dst(%dma_wait3A_48 : memref<128x128xf32, #tpu.memory_space<hbm>>)
      tpu.yield
    }) : () -> ()
    %add3A_16 = arith.constant 128 : i32
    %add3A_17 = arith.addi %mul3A_2, %add3A_16 : i32
    "tpu.region"() ({
      %run_scoped3A = tpu.sem_alloc : memref<!tpu.dma_semaphore, #tpu.memory_space<semaphore_mem>>
      %dma_start3A_41 = tpu.memref_slice %arg4[%add3A_17] : memref<8192xi32, #tpu.memory_space<hbm>> -> memref<128xi32, #tpu.memory_space<hbm>>
      %dma_start3A_42 = tpu.memref_slice %arg4[%add3A_17] : memref<8192xi32, #tpu.memory_space<hbm>> -> memref<128xi32, #tpu.memory_space<hbm>>
      tpu.enqueue_dma source(%dma_start3A_42 : memref<128xi32, #tpu.memory_space<hbm>>) target(%arg8 : memref<128xi32, #tpu.memory_space<vmem>>) target_semaphore(%run_scoped3A : memref<!tpu.dma_semaphore, #tpu.memory_space<semaphore_mem>>)
      %dma_wait3A_43 = tpu.memref_slice %arg4[%add3A_17] : memref<8192xi32, #tpu.memory_space<hbm>> -> memref<128xi32, #tpu.memory_space<hbm>>
      %dma_wait3A_44 = tpu.memref_slice %arg4[%add3A_17] : memref<8192xi32, #tpu.memory_space<hbm>> -> memref<128xi32, #tpu.memory_space<hbm>>
      tpu.wait_dma2 semaphore(%run_scoped3A : memref<!tpu.dma_semaphore, #tpu.memory_space<semaphore_mem>>) src(%dma_wait3A_44 : memref<128xi32, #tpu.memory_space<hbm>>) dst(%arg8 : memref<128xi32, #tpu.memory_space<vmem>>)
      tpu.yield
    }) : () -> ()
    %dma_start3A_18 = arith.constant 0 : i32
    %dma_start3A_19 = arith.constant 0 : i32
    %dma_start3A_20 = tpu.memref_slice %arg2[%dma_start3A_18, %dma_start3A_19] : memref<512x128xf32, #tpu.memory_space<hbm>> -> memref<512x128xf32, #tpu.memory_space<hbm>>
    tpu.enqueue_indirect_dma source(%dma_start3A_20 : memref<512x128xf32, #tpu.memory_space<hbm>>) target(%arg10 : memref<128x128xf32, #tpu.memory_space<vmem>>) offsets(%arg8 : memref<128xi32, #tpu.memory_space<vmem>>) semaphore(%arg12 : memref<!tpu.dma_semaphore, #tpu.memory_space<semaphore_mem>>)
    %dma_wait3A_21 = arith.constant 0 : i32
    %dma_wait3A_22 = arith.constant 0 : i32
    %dma_wait3A_23 = tpu.memref_slice %arg3[%dma_wait3A_21, %dma_wait3A_22] : memref<1024x128xf32, #tpu.memory_space<hbm>> -> memref<1024x128xf32, #tpu.memory_space<hbm>>
    tpu.wait_indirect_dma semaphore(%arg13 : memref<!tpu.dma_semaphore, #tpu.memory_space<semaphore_mem>>) src(%dma_wait3A_23 : memref<1024x128xf32, #tpu.memory_space<hbm>>) dst(%arg11 : memref<128x128xf32, #tpu.memory_space<vmem>>)
    %add3A_24 = arith.constant 0 : i32
    %add3A_25 = arith.addi %mul3A_2, %add3A_24 : i32
    "tpu.region"() ({
      %run_scoped3A = tpu.sem_alloc : memref<!tpu.dma_semaphore, #tpu.memory_space<semaphore_mem>>
      %dma_start3A_41 = arith.constant 0 : i32
      %dma_start3A_42 = tpu.memref_slice %arg7[%add3A_25, %dma_start3A_41] : memref<8192x128xf32, #tpu.memory_space<hbm>> -> memref<128x128xf32, #tpu.memory_space<hbm>>
      %dma_start3A_43 = arith.constant 0 : i32
      %dma_start3A_44 = tpu.memref_slice %arg7[%add3A_25, %dma_start3A_43] : memref<8192x128xf32, #tpu.memory_space<hbm>> -> memref<128x128xf32, #tpu.memory_space<hbm>>
      tpu.enqueue_dma source(%arg11 : memref<128x128xf32, #tpu.memory_space<vmem>>) target(%dma_start3A_44 : memref<128x128xf32, #tpu.memory_space<hbm>>) target_semaphore(%run_scoped3A : memref<!tpu.dma_semaphore, #tpu.memory_space<semaphore_mem>>)
      %dma_wait3A_45 = arith.constant 0 : i32
      %dma_wait3A_46 = tpu.memref_slice %arg7[%add3A_25, %dma_wait3A_45] : memref<8192x128xf32, #tpu.memory_space<hbm>> -> memref<128x128xf32, #tpu.memory_space<hbm>>
      %dma_wait3A_47 = arith.constant 0 : i32
      %dma_wait3A_48 = tpu.memref_slice %arg7[%add3A_25, %dma_wait3A_47] : memref<8192x128xf32, #tpu.memory_space<hbm>> -> memref<128x128xf32, #tpu.memory_space<hbm>>
      tpu.wait_dma2 semaphore(%run_scoped3A : memref<!tpu.dma_semaphore, #tpu.memory_space<semaphore_mem>>) src(%arg11 : memref<128x128xf32, #tpu.memory_space<vmem>>) dst(%dma_wait3A_48 : memref<128x128xf32, #tpu.memory_space<hbm>>)
      tpu.yield
    }) : () -> ()
    %add3A_26 = arith.constant 128 : i32
    %add3A_27 = arith.addi %mul3A_2, %add3A_26 : i32
    "tpu.region"() ({
      %run_scoped3A = tpu.sem_alloc : memref<!tpu.dma_semaphore, #tpu.memory_space<semaphore_mem>>
      %dma_start3A_41 = tpu.memref_slice %arg5[%add3A_27] : memref<8192xi32, #tpu.memory_space<hbm>> -> memref<128xi32, #tpu.memory_space<hbm>>
      %dma_start3A_42 = tpu.memref_slice %arg5[%add3A_27] : memref<8192xi32, #tpu.memory_space<hbm>> -> memref<128xi32, #tpu.memory_space<hbm>>
      tpu.enqueue_dma source(%dma_start3A_42 : memref<128xi32, #tpu.memory_space<hbm>>) target(%arg9 : memref<128xi32, #tpu.memory_space<vmem>>) target_semaphore(%run_scoped3A : memref<!tpu.dma_semaphore, #tpu.memory_space<semaphore_mem>>)
      %dma_wait3A_43 = tpu.memref_slice %arg5[%add3A_27] : memref<8192xi32, #tpu.memory_space<hbm>> -> memref<128xi32, #tpu.memory_space<hbm>>
      %dma_wait3A_44 = tpu.memref_slice %arg5[%add3A_27] : memref<8192xi32, #tpu.memory_space<hbm>> -> memref<128xi32, #tpu.memory_space<hbm>>
      tpu.wait_dma2 semaphore(%run_scoped3A : memref<!tpu.dma_semaphore, #tpu.memory_space<semaphore_mem>>) src(%dma_wait3A_44 : memref<128xi32, #tpu.memory_space<hbm>>) dst(%arg9 : memref<128xi32, #tpu.memory_space<vmem>>)
      tpu.yield
    }) : () -> ()
    %dma_start3A_28 = arith.constant 0 : i32
    %dma_start3A_29 = arith.constant 0 : i32
    %dma_start3A_30 = tpu.memref_slice %arg3[%dma_start3A_28, %dma_start3A_29] : memref<1024x128xf32, #tpu.memory_space<hbm>> -> memref<1024x128xf32, #tpu.memory_space<hbm>>
    tpu.enqueue_indirect_dma source(%dma_start3A_30 : memref<1024x128xf32, #tpu.memory_space<hbm>>) target(%arg11 : memref<128x128xf32, #tpu.memory_space<vmem>>) offsets(%arg9 : memref<128xi32, #tpu.memory_space<vmem>>) semaphore(%arg13 : memref<!tpu.dma_semaphore, #tpu.memory_space<semaphore_mem>>)
    %dma_wait3A_31 = arith.constant 0 : i32
    %dma_wait3A_32 = arith.constant 0 : i32
    %dma_wait3A_33 = tpu.memref_slice %arg2[%dma_wait3A_31, %dma_wait3A_32] : memref<512x128xf32, #tpu.memory_space<hbm>> -> memref<512x128xf32, #tpu.memory_space<hbm>>
    tpu.wait_indirect_dma semaphore(%arg12 : memref<!tpu.dma_semaphore, #tpu.memory_space<semaphore_mem>>) src(%dma_wait3A_33 : memref<512x128xf32, #tpu.memory_space<hbm>>) dst(%arg10 : memref<128x128xf32, #tpu.memory_space<vmem>>)
    %add3A_34 = arith.constant 128 : i32
    %add3A_35 = arith.addi %mul3A_2, %add3A_34 : i32
    "tpu.region"() ({
      %run_scoped3A = tpu.sem_alloc : memref<!tpu.dma_semaphore, #tpu.memory_space<semaphore_mem>>
      %dma_start3A_41 = arith.constant 0 : i32
      %dma_start3A_42 = tpu.memref_slice %arg6[%add3A_35, %dma_start3A_41] : memref<8192x128xf32, #tpu.memory_space<hbm>> -> memref<128x128xf32, #tpu.memory_space<hbm>>
      %dma_start3A_43 = arith.constant 0 : i32
      %dma_start3A_44 = tpu.memref_slice %arg6[%add3A_35, %dma_start3A_43] : memref<8192x128xf32, #tpu.memory_space<hbm>> -> memref<128x128xf32, #tpu.memory_space<hbm>>
      tpu.enqueue_dma source(%arg10 : memref<128x128xf32, #tpu.memory_space<vmem>>) target(%dma_start3A_44 : memref<128x128xf32, #tpu.memory_space<hbm>>) target_semaphore(%run_scoped3A : memref<!tpu.dma_semaphore, #tpu.memory_space<semaphore_mem>>)
      %dma_wait3A_45 = arith.constant 0 : i32
      %dma_wait3A_46 = tpu.memref_slice %arg6[%add3A_35, %dma_wait3A_45] : memref<8192x128xf32, #tpu.memory_space<hbm>> -> memref<128x128xf32, #tpu.memory_space<hbm>>
      %dma_wait3A_47 = arith.constant 0 : i32
      %dma_wait3A_48 = tpu.memref_slice %arg6[%add3A_35, %dma_wait3A_47] : memref<8192x128xf32, #tpu.memory_space<hbm>> -> memref<128x128xf32, #tpu.memory_space<hbm>>
      tpu.wait_dma2 semaphore(%run_scoped3A : memref<!tpu.dma_semaphore, #tpu.memory_space<semaphore_mem>>) src(%arg10 : memref<128x128xf32, #tpu.memory_space<vmem>>) dst(%dma_wait3A_48 : memref<128x128xf32, #tpu.memory_space<hbm>>)
      tpu.yield
    }) : () -> ()
    %dma_wait3A_36 = arith.constant 0 : i32
    %dma_wait3A_37 = arith.constant 0 : i32
    %dma_wait3A_38 = tpu.memref_slice %arg3[%dma_wait3A_36, %dma_wait3A_37] : memref<1024x128xf32, #tpu.memory_space<hbm>> -> memref<1024x128xf32, #tpu.memory_space<hbm>>
    tpu.wait_indirect_dma semaphore(%arg13 : memref<!tpu.dma_semaphore, #tpu.memory_space<semaphore_mem>>) src(%dma_wait3A_38 : memref<1024x128xf32, #tpu.memory_space<hbm>>) dst(%arg11 : memref<128x128xf32, #tpu.memory_space<vmem>>)
    %add3A_39 = arith.constant 128 : i32
    %add3A_40 = arith.addi %mul3A_2, %add3A_39 : i32
    "tpu.region"() ({
      %run_scoped3A = tpu.sem_alloc : memref<!tpu.dma_semaphore, #tpu.memory_space<semaphore_mem>>
      %dma_start3A_41 = arith.constant 0 : i32
      %dma_start3A_42 = tpu.memref_slice %arg7[%add3A_40, %dma_start3A_41] : memref<8192x128xf32, #tpu.memory_space<hbm>> -> memref<128x128xf32, #tpu.memory_space<hbm>>
      %dma_start3A_43 = arith.constant 0 : i32
      %dma_start3A_44 = tpu.memref_slice %arg7[%add3A_40, %dma_start3A_43] : memref<8192x128xf32, #tpu.memory_space<hbm>> -> memref<128x128xf32, #tpu.memory_space<hbm>>
      tpu.enqueue_dma source(%arg11 : memref<128x128xf32, #tpu.memory_space<vmem>>) target(%dma_start3A_44 : memref<128x128xf32, #tpu.memory_space<hbm>>) target_semaphore(%run_scoped3A : memref<!tpu.dma_semaphore, #tpu.memory_space<semaphore_mem>>)
      %dma_wait3A_45 = arith.constant 0 : i32
      %dma_wait3A_46 = tpu.memref_slice %arg7[%add3A_40, %dma_wait3A_45] : memref<8192x128xf32, #tpu.memory_space<hbm>> -> memref<128x128xf32, #tpu.memory_space<hbm>>
      %dma_wait3A_47 = arith.constant 0 : i32
      %dma_wait3A_48 = tpu.memref_slice %arg7[%add3A_40, %dma_wait3A_47] : memref<8192x128xf32, #tpu.memory_space<hbm>> -> memref<128x128xf32, #tpu.memory_space<hbm>>
      tpu.wait_dma2 semaphore(%run_scoped3A : memref<!tpu.dma_semaphore, #tpu.memory_space<semaphore_mem>>) src(%arg11 : memref<128x128xf32, #tpu.memory_space<vmem>>) dst(%dma_wait3A_48 : memref<128x128xf32, #tpu.memory_space<hbm>>)
      tpu.yield
    }) : () -> ()
    return
  }
}

#map = affine_map<(d0, d1) -> (0, 0)>
#map1 = affine_map<(d0, d1) -> (0)>
module attributes {stable_mosaic.version = 14 : i64} {
  func.func @gather_k(%arg0: i32, %arg1: i32, %arg2: memref<512x128xf32, #tpu.memory_space<hbm>>, %arg3: memref<1024x128xf32, #tpu.memory_space<hbm>>, %arg4: memref<8192xi32, #tpu.memory_space<hbm>>, %arg5: memref<8192xi32, #tpu.memory_space<hbm>>, %arg6: memref<8192x128xf32, #tpu.memory_space<hbm>>, %arg7: memref<8192x128xf32, #tpu.memory_space<hbm>>, %arg8: memref<128xi32, #tpu.memory_space<vmem>>, %arg9: memref<128xi32, #tpu.memory_space<vmem>>, %arg10: memref<128x128xf32, #tpu.memory_space<vmem>>, %arg11: memref<128x128xf32, #tpu.memory_space<vmem>>, %arg12: memref<!tpu.dma_semaphore, #tpu.memory_space<semaphore_mem>>, %arg13: memref<!tpu.dma_semaphore, #tpu.memory_space<semaphore_mem>>) attributes {dimension_semantics = [#tpu.dimension_semantics<core_parallel>, #tpu.dimension_semantics<subcore_parallel>], iteration_bounds = array<i64: 2, 16>, scalar_prefetch = 0 : i64, scratch_operands = 6 : i64, tpu.core_type = #tpu.core_type<sc_vector_subcore>, window_params = [{transform_indices = #map}, {transform_indices = #map}, {transform_indices = #map1}, {transform_indices = #map1}, {transform_indices = #map}, {transform_indices = #map}]} {
    %mul3A = arith.constant 2 : i32
    %mul3A_0 = arith.muli %arg1, %mul3A : i32
    %add3A = arith.addi %mul3A_0, %arg0 : i32
    %mul3A_1 = arith.constant 256 : i32
    %mul3A_2 = arith.muli %add3A, %mul3A_1 : i32
    %add3A_3 = arith.constant 0 : i32
    %add3A_4 = arith.addi %mul3A_2, %add3A_3 : i32
    "tpu.region"() ({
      %run_scoped3A = tpu.sem_alloc : memref<!tpu.dma_semaphore, #tpu.memory_space<semaphore_mem>>
      %dma_start3A_41 = tpu.memref_slice %arg4[%add3A_4] : memref<8192xi32, #tpu.memory_space<hbm>> -> memref<128xi32, #tpu.memory_space<hbm>>
      %dma_start3A_42 = tpu.memref_slice %arg4[%add3A_4] : memref<8192xi32, #tpu.memory_space<hbm>> -> memref<128xi32, #tpu.memory_space<hbm>>
      tpu.enqueue_dma source(%dma_start3A_42 : memref<128xi32, #tpu.memory_space<hbm>>) target(%arg8 : memref<128xi32, #tpu.memory_space<vmem>>) target_semaphore(%run_scoped3A : memref<!tpu.dma_semaphore, #tpu.memory_space<semaphore_mem>>)
      %dma_wait3A_43 = tpu.memref_slice %arg4[%add3A_4] : memref<8192xi32, #tpu.memory_space<hbm>> -> memref<128xi32, #tpu.memory_space<hbm>>
      %dma_wait3A_44 = tpu.memref_slice %arg4[%add3A_4] : memref<8192xi32, #tpu.memory_space<hbm>> -> memref<128xi32, #tpu.memory_space<hbm>>
      tpu.wait_dma2 semaphore(%run_scoped3A : memref<!tpu.dma_semaphore, #tpu.memory_space<semaphore_mem>>) src(%dma_wait3A_44 : memref<128xi32, #tpu.memory_space<hbm>>) dst(%arg8 : memref<128xi32, #tpu.memory_space<vmem>>)
      tpu.yield
    }) : () -> ()
    %dma_start3A = arith.constant 0 : i32
    %dma_start3A_5 = arith.constant 0 : i32
    %dma_start3A_6 = tpu.memref_slice %arg2[%dma_start3A, %dma_start3A_5] : memref<512x128xf32, #tpu.memory_space<hbm>> -> memref<512x128xf32, #tpu.memory_space<hbm>>
    tpu.enqueue_indirect_dma source(%dma_start3A_6 : memref<512x128xf32, #tpu.memory_space<hbm>>) target(%arg10 : memref<128x128xf32, #tpu.memory_space<vmem>>) offsets(%arg8 : memref<128xi32, #tpu.memory_space<vmem>>) semaphore(%arg12 : memref<!tpu.dma_semaphore, #tpu.memory_space<semaphore_mem>>)
    %add3A_7 = arith.constant 0 : i32
    %add3A_8 = arith.addi %mul3A_2, %add3A_7 : i32
    "tpu.region"() ({
      %run_scoped3A = tpu.sem_alloc : memref<!tpu.dma_semaphore, #tpu.memory_space<semaphore_mem>>
      %dma_start3A_41 = tpu.memref_slice %arg5[%add3A_8] : memref<8192xi32, #tpu.memory_space<hbm>> -> memref<128xi32, #tpu.memory_space<hbm>>
      %dma_start3A_42 = tpu.memref_slice %arg5[%add3A_8] : memref<8192xi32, #tpu.memory_space<hbm>> -> memref<128xi32, #tpu.memory_space<hbm>>
      tpu.enqueue_dma source(%dma_start3A_42 : memref<128xi32, #tpu.memory_space<hbm>>) target(%arg9 : memref<128xi32, #tpu.memory_space<vmem>>) target_semaphore(%run_scoped3A : memref<!tpu.dma_semaphore, #tpu.memory_space<semaphore_mem>>)
      %dma_wait3A_43 = tpu.memref_slice %arg5[%add3A_8] : memref<8192xi32, #tpu.memory_space<hbm>> -> memref<128xi32, #tpu.memory_space<hbm>>
      %dma_wait3A_44 = tpu.memref_slice %arg5[%add3A_8] : memref<8192xi32, #tpu.memory_space<hbm>> -> memref<128xi32, #tpu.memory_space<hbm>>
      tpu.wait_dma2 semaphore(%run_scoped3A : memref<!tpu.dma_semaphore, #tpu.memory_space<semaphore_mem>>) src(%dma_wait3A_44 : memref<128xi32, #tpu.memory_space<hbm>>) dst(%arg9 : memref<128xi32, #tpu.memory_space<vmem>>)
      tpu.yield
    }) : () -> ()
    %dma_start3A_9 = arith.constant 0 : i32
    %dma_start3A_10 = arith.constant 0 : i32
    %dma_start3A_11 = tpu.memref_slice %arg3[%dma_start3A_9, %dma_start3A_10] : memref<1024x128xf32, #tpu.memory_space<hbm>> -> memref<1024x128xf32, #tpu.memory_space<hbm>>
    tpu.enqueue_indirect_dma source(%dma_start3A_11 : memref<1024x128xf32, #tpu.memory_space<hbm>>) target(%arg11 : memref<128x128xf32, #tpu.memory_space<vmem>>) offsets(%arg9 : memref<128xi32, #tpu.memory_space<vmem>>) semaphore(%arg13 : memref<!tpu.dma_semaphore, #tpu.memory_space<semaphore_mem>>)
    %dma_wait3A = arith.constant 0 : i32
    %dma_wait3A_12 = arith.constant 0 : i32
    %dma_wait3A_13 = tpu.memref_slice %arg2[%dma_wait3A, %dma_wait3A_12] : memref<512x128xf32, #tpu.memory_space<hbm>> -> memref<512x128xf32, #tpu.memory_space<hbm>>
    tpu.wait_indirect_dma semaphore(%arg12 : memref<!tpu.dma_semaphore, #tpu.memory_space<semaphore_mem>>) src(%dma_wait3A_13 : memref<512x128xf32, #tpu.memory_space<hbm>>) dst(%arg10 : memref<128x128xf32, #tpu.memory_space<vmem>>)
    %add3A_14 = arith.constant 0 : i32
    %add3A_15 = arith.addi %mul3A_2, %add3A_14 : i32
    "tpu.region"() ({
      %run_scoped3A = tpu.sem_alloc : memref<!tpu.dma_semaphore, #tpu.memory_space<semaphore_mem>>
      %dma_start3A_41 = arith.constant 0 : i32
      %dma_start3A_42 = tpu.memref_slice %arg6[%add3A_15, %dma_start3A_41] : memref<8192x128xf32, #tpu.memory_space<hbm>> -> memref<128x128xf32, #tpu.memory_space<hbm>>
      %dma_start3A_43 = arith.constant 0 : i32
      %dma_start3A_44 = tpu.memref_slice %arg6[%add3A_15, %dma_start3A_43] : memref<8192x128xf32, #tpu.memory_space<hbm>> -> memref<128x128xf32, #tpu.memory_space<hbm>>
      tpu.enqueue_dma source(%arg10 : memref<128x128xf32, #tpu.memory_space<vmem>>) target(%dma_start3A_44 : memref<128x128xf32, #tpu.memory_space<hbm>>) target_semaphore(%run_scoped3A : memref<!tpu.dma_semaphore, #tpu.memory_space<semaphore_mem>>)
      %dma_wait3A_45 = arith.constant 0 : i32
      %dma_wait3A_46 = tpu.memref_slice %arg6[%add3A_15, %dma_wait3A_45] : memref<8192x128xf32, #tpu.memory_space<hbm>> -> memref<128x128xf32, #tpu.memory_space<hbm>>
      %dma_wait3A_47 = arith.constant 0 : i32
      %dma_wait3A_48 = tpu.memref_slice %arg6[%add3A_15, %dma_wait3A_47] : memref<8192x128xf32, #tpu.memory_space<hbm>> -> memref<128x128xf32, #tpu.memory_space<hbm>>
      tpu.wait_dma2 semaphore(%run_scoped3A : memref<!tpu.dma_semaphore, #tpu.memory_space<semaphore_mem>>) src(%arg10 : memref<128x128xf32, #tpu.memory_space<vmem>>) dst(%dma_wait3A_48 : memref<128x128xf32, #tpu.memory_space<hbm>>)
      tpu.yield
    }) : () -> ()
    %add3A_16 = arith.constant 128 : i32
    %add3A_17 = arith.addi %mul3A_2, %add3A_16 : i32
    "tpu.region"() ({
      %run_scoped3A = tpu.sem_alloc : memref<!tpu.dma_semaphore, #tpu.memory_space<semaphore_mem>>
      %dma_start3A_41 = tpu.memref_slice %arg4[%add3A_17] : memref<8192xi32, #tpu.memory_space<hbm>> -> memref<128xi32, #tpu.memory_space<hbm>>
      %dma_start3A_42 = tpu.memref_slice %arg4[%add3A_17] : memref<8192xi32, #tpu.memory_space<hbm>> -> memref<128xi32, #tpu.memory_space<hbm>>
      tpu.enqueue_dma source(%dma_start3A_42 : memref<128xi32, #tpu.memory_space<hbm>>) target(%arg8 : memref<128xi32, #tpu.memory_space<vmem>>) target_semaphore(%run_scoped3A : memref<!tpu.dma_semaphore, #tpu.memory_space<semaphore_mem>>)
      %dma_wait3A_43 = tpu.memref_slice %arg4[%add3A_17] : memref<8192xi32, #tpu.memory_space<hbm>> -> memref<128xi32, #tpu.memory_space<hbm>>
      %dma_wait3A_44 = tpu.memref_slice %arg4[%add3A_17] : memref<8192xi32, #tpu.memory_space<hbm>> -> memref<128xi32, #tpu.memory_space<hbm>>
      tpu.wait_dma2 semaphore(%run_scoped3A : memref<!tpu.dma_semaphore, #tpu.memory_space<semaphore_mem>>) src(%dma_wait3A_44 : memref<128xi32, #tpu.memory_space<hbm>>) dst(%arg8 : memref<128xi32, #tpu.memory_space<vmem>>)
      tpu.yield
    }) : () -> ()
    %dma_start3A_18 = arith.constant 0 : i32
    %dma_start3A_19 = arith.constant 0 : i32
    %dma_start3A_20 = tpu.memref_slice %arg2[%dma_start3A_18, %dma_start3A_19] : memref<512x128xf32, #tpu.memory_space<hbm>> -> memref<512x128xf32, #tpu.memory_space<hbm>>
    tpu.enqueue_indirect_dma source(%dma_start3A_20 : memref<512x128xf32, #tpu.memory_space<hbm>>) target(%arg10 : memref<128x128xf32, #tpu.memory_space<vmem>>) offsets(%arg8 : memref<128xi32, #tpu.memory_space<vmem>>) semaphore(%arg12 : memref<!tpu.dma_semaphore, #tpu.memory_space<semaphore_mem>>)
    %dma_wait3A_21 = arith.constant 0 : i32
    %dma_wait3A_22 = arith.constant 0 : i32
    %dma_wait3A_23 = tpu.memref_slice %arg3[%dma_wait3A_21, %dma_wait3A_22] : memref<1024x128xf32, #tpu.memory_space<hbm>> -> memref<1024x128xf32, #tpu.memory_space<hbm>>
    tpu.wait_indirect_dma semaphore(%arg13 : memref<!tpu.dma_semaphore, #tpu.memory_space<semaphore_mem>>) src(%dma_wait3A_23 : memref<1024x128xf32, #tpu.memory_space<hbm>>) dst(%arg11 : memref<128x128xf32, #tpu.memory_space<vmem>>)
    %add3A_24 = arith.constant 0 : i32
    %add3A_25 = arith.addi %mul3A_2, %add3A_24 : i32
    "tpu.region"() ({
      %run_scoped3A = tpu.sem_alloc : memref<!tpu.dma_semaphore, #tpu.memory_space<semaphore_mem>>
      %dma_start3A_41 = arith.constant 0 : i32
      %dma_start3A_42 = tpu.memref_slice %arg7[%add3A_25, %dma_start3A_41] : memref<8192x128xf32, #tpu.memory_space<hbm>> -> memref<128x128xf32, #tpu.memory_space<hbm>>
      %dma_start3A_43 = arith.constant 0 : i32
      %dma_start3A_44 = tpu.memref_slice %arg7[%add3A_25, %dma_start3A_43] : memref<8192x128xf32, #tpu.memory_space<hbm>> -> memref<128x128xf32, #tpu.memory_space<hbm>>
      tpu.enqueue_dma source(%arg11 : memref<128x128xf32, #tpu.memory_space<vmem>>) target(%dma_start3A_44 : memref<128x128xf32, #tpu.memory_space<hbm>>) target_semaphore(%run_scoped3A : memref<!tpu.dma_semaphore, #tpu.memory_space<semaphore_mem>>)
      %dma_wait3A_45 = arith.constant 0 : i32
      %dma_wait3A_46 = tpu.memref_slice %arg7[%add3A_25, %dma_wait3A_45] : memref<8192x128xf32, #tpu.memory_space<hbm>> -> memref<128x128xf32, #tpu.memory_space<hbm>>
      %dma_wait3A_47 = arith.constant 0 : i32
      %dma_wait3A_48 = tpu.memref_slice %arg7[%add3A_25, %dma_wait3A_47] : memref<8192x128xf32, #tpu.memory_space<hbm>> -> memref<128x128xf32, #tpu.memory_space<hbm>>
      tpu.wait_dma2 semaphore(%run_scoped3A : memref<!tpu.dma_semaphore, #tpu.memory_space<semaphore_mem>>) src(%arg11 : memref<128x128xf32, #tpu.memory_space<vmem>>) dst(%dma_wait3A_48 : memref<128x128xf32, #tpu.memory_space<hbm>>)
      tpu.yield
    }) : () -> ()
    %add3A_26 = arith.constant 128 : i32
    %add3A_27 = arith.addi %mul3A_2, %add3A_26 : i32
    "tpu.region"() ({
      %run_scoped3A = tpu.sem_alloc : memref<!tpu.dma_semaphore, #tpu.memory_space<semaphore_mem>>
      %dma_start3A_41 = tpu.memref_slice %arg5[%add3A_27] : memref<8192xi32, #tpu.memory_space<hbm>> -> memref<128xi32, #tpu.memory_space<hbm>>
      %dma_start3A_42 = tpu.memref_slice %arg5[%add3A_27] : memref<8192xi32, #tpu.memory_space<hbm>> -> memref<128xi32, #tpu.memory_space<hbm>>
      tpu.enqueue_dma source(%dma_start3A_42 : memref<128xi32, #tpu.memory_space<hbm>>) target(%arg9 : memref<128xi32, #tpu.memory_space<vmem>>) target_semaphore(%run_scoped3A : memref<!tpu.dma_semaphore, #tpu.memory_space<semaphore_mem>>)
      %dma_wait3A_43 = tpu.memref_slice %arg5[%add3A_27] : memref<8192xi32, #tpu.memory_space<hbm>> -> memref<128xi32, #tpu.memory_space<hbm>>
      %dma_wait3A_44 = tpu.memref_slice %arg5[%add3A_27] : memref<8192xi32, #tpu.memory_space<hbm>> -> memref<128xi32, #tpu.memory_space<hbm>>
      tpu.wait_dma2 semaphore(%run_scoped3A : memref<!tpu.dma_semaphore, #tpu.memory_space<semaphore_mem>>) src(%dma_wait3A_44 : memref<128xi32, #tpu.memory_space<hbm>>) dst(%arg9 : memref<128xi32, #tpu.memory_space<vmem>>)
      tpu.yield
    }) : () -> ()
    %dma_start3A_28 = arith.constant 0 : i32
    %dma_start3A_29 = arith.constant 0 : i32
    %dma_start3A_30 = tpu.memref_slice %arg3[%dma_start3A_28, %dma_start3A_29] : memref<1024x128xf32, #tpu.memory_space<hbm>> -> memref<1024x128xf32, #tpu.memory_space<hbm>>
    tpu.enqueue_indirect_dma source(%dma_start3A_30 : memref<1024x128xf32, #tpu.memory_space<hbm>>) target(%arg11 : memref<128x128xf32, #tpu.memory_space<vmem>>) offsets(%arg9 : memref<128xi32, #tpu.memory_space<vmem>>) semaphore(%arg13 : memref<!tpu.dma_semaphore, #tpu.memory_space<semaphore_mem>>)
    %dma_wait3A_31 = arith.constant 0 : i32
    %dma_wait3A_32 = arith.constant 0 : i32
    %dma_wait3A_33 = tpu.memref_slice %arg2[%dma_wait3A_31, %dma_wait3A_32] : memref<512x128xf32, #tpu.memory_space<hbm>> -> memref<512x128xf32, #tpu.memory_space<hbm>>
    tpu.wait_indirect_dma semaphore(%arg12 : memref<!tpu.dma_semaphore, #tpu.memory_space<semaphore_mem>>) src(%dma_wait3A_33 : memref<512x128xf32, #tpu.memory_space<hbm>>) dst(%arg10 : memref<128x128xf32, #tpu.memory_space<vmem>>)
    %add3A_34 = arith.constant 128 : i32
    %add3A_35 = arith.addi %mul3A_2, %add3A_34 : i32
    "tpu.region"() ({
      %run_scoped3A = tpu.sem_alloc : memref<!tpu.dma_semaphore, #tpu.memory_space<semaphore_mem>>
      %dma_start3A_41 = arith.constant 0 : i32
      %dma_start3A_42 = tpu.memref_slice %arg6[%add3A_35, %dma_start3A_41] : memref<8192x128xf32, #tpu.memory_space<hbm>> -> memref<128x128xf32, #tpu.memory_space<hbm>>
      %dma_start3A_43 = arith.constant 0 : i32
      %dma_start3A_44 = tpu.memref_slice %arg6[%add3A_35, %dma_start3A_43] : memref<8192x128xf32, #tpu.memory_space<hbm>> -> memref<128x128xf32, #tpu.memory_space<hbm>>
      tpu.enqueue_dma source(%arg10 : memref<128x128xf32, #tpu.memory_space<vmem>>) target(%dma_start3A_44 : memref<128x128xf32, #tpu.memory_space<hbm>>) target_semaphore(%run_scoped3A : memref<!tpu.dma_semaphore, #tpu.memory_space<semaphore_mem>>)
      %dma_wait3A_45 = arith.constant 0 : i32
      %dma_wait3A_46 = tpu.memref_slice %arg6[%add3A_35, %dma_wait3A_45] : memref<8192x128xf32, #tpu.memory_space<hbm>> -> memref<128x128xf32, #tpu.memory_space<hbm>>
      %dma_wait3A_47 = arith.constant 0 : i32
      %dma_wait3A_48 = tpu.memref_slice %arg6[%add3A_35, %dma_wait3A_47] : memref<8192x128xf32, #tpu.memory_space<hbm>> -> memref<128x128xf32, #tpu.memory_space<hbm>>
      tpu.wait_dma2 semaphore(%run_scoped3A : memref<!tpu.dma_semaphore, #tpu.memory_space<semaphore_mem>>) src(%arg10 : memref<128x128xf32, #tpu.memory_space<vmem>>) dst(%dma_wait3A_48 : memref<128x128xf32, #tpu.memory_space<hbm>>)
      tpu.yield
    }) : () -> ()
    %dma_wait3A_36 = arith.constant 0 : i32
    %dma_wait3A_37 = arith.constant 0 : i32
    %dma_wait3A_38 = tpu.memref_slice %arg3[%dma_wait3A_36, %dma_wait3A_37] : memref<1024x128xf32, #tpu.memory_space<hbm>> -> memref<1024x128xf32, #tpu.memory_space<hbm>>
    tpu.wait_indirect_dma semaphore(%arg13 : memref<!tpu.dma_semaphore, #tpu.memory_space<semaphore_mem>>) src(%dma_wait3A_38 : memref<1024x128xf32, #tpu.memory_space<hbm>>) dst(%arg11 : memref<128x128xf32, #tpu.memory_space<vmem>>)
    %add3A_39 = arith.constant 128 : i32
    %add3A_40 = arith.addi %mul3A_2, %add3A_39 : i32
    "tpu.region"() ({
      %run_scoped3A = tpu.sem_alloc : memref<!tpu.dma_semaphore, #tpu.memory_space<semaphore_mem>>
      %dma_start3A_41 = arith.constant 0 : i32
      %dma_start3A_42 = tpu.memref_slice %arg7[%add3A_40, %dma_start3A_41] : memref<8192x128xf32, #tpu.memory_space<hbm>> -> memref<128x128xf32, #tpu.memory_space<hbm>>
      %dma_start3A_43 = arith.constant 0 : i32
      %dma_start3A_44 = tpu.memref_slice %arg7[%add3A_40, %dma_start3A_43] : memref<8192x128xf32, #tpu.memory_space<hbm>> -> memref<128x128xf32, #tpu.memory_space<hbm>>
      tpu.enqueue_dma source(%arg11 : memref<128x128xf32, #tpu.memory_space<vmem>>) target(%dma_start3A_44 : memref<128x128xf32, #tpu.memory_space<hbm>>) target_semaphore(%run_scoped3A : memref<!tpu.dma_semaphore, #tpu.memory_space<semaphore_mem>>)
      %dma_wait3A_45 = arith.constant 0 : i32
      %dma_wait3A_46 = tpu.memref_slice %arg7[%add3A_40, %dma_wait3A_45] : memref<8192x128xf32, #tpu.memory_space<hbm>> -> memref<128x128xf32, #tpu.memory_space<hbm>>
      %dma_wait3A_47 = arith.constant 0 : i32
      %dma_wait3A_48 = tpu.memref_slice %arg7[%add3A_40, %dma_wait3A_47] : memref<8192x128xf32, #tpu.memory_space<hbm>> -> memref<128x128xf32, #tpu.memory_space<hbm>>
      tpu.wait_dma2 semaphore(%run_scoped3A : memref<!tpu.dma_semaphore, #tpu.memory_space<semaphore_mem>>) src(%arg11 : memref<128x128xf32, #tpu.memory_space<vmem>>) dst(%dma_wait3A_48 : memref<128x128xf32, #tpu.memory_space<hbm>>)
      tpu.yield
    }) : () -> ()
    return
  }
}

#map = affine_map<(d0, d1) -> (0, 0)>
#map1 = affine_map<(d0, d1) -> (0)>
module attributes {stable_mosaic.version = 14 : i64} {
  func.func @gather_k(%arg0: i32, %arg1: i32, %arg2: memref<512x128xf32, #tpu.memory_space<hbm>>, %arg3: memref<1024x128xf32, #tpu.memory_space<hbm>>, %arg4: memref<8192xi32, #tpu.memory_space<hbm>>, %arg5: memref<8192xi32, #tpu.memory_space<hbm>>, %arg6: memref<8192x128xf32, #tpu.memory_space<hbm>>, %arg7: memref<8192x128xf32, #tpu.memory_space<hbm>>, %arg8: memref<128xi32, #tpu.memory_space<vmem>>, %arg9: memref<128xi32, #tpu.memory_space<vmem>>, %arg10: memref<128x128xf32, #tpu.memory_space<vmem>>, %arg11: memref<128x128xf32, #tpu.memory_space<vmem>>, %arg12: memref<!tpu.dma_semaphore, #tpu.memory_space<semaphore_mem>>, %arg13: memref<!tpu.dma_semaphore, #tpu.memory_space<semaphore_mem>>) attributes {dimension_semantics = [#tpu.dimension_semantics<core_parallel>, #tpu.dimension_semantics<subcore_parallel>], iteration_bounds = array<i64: 2, 16>, scalar_prefetch = 0 : i64, scratch_operands = 6 : i64, tpu.core_type = #tpu.core_type<sc_vector_subcore>, window_params = [{transform_indices = #map}, {transform_indices = #map}, {transform_indices = #map1}, {transform_indices = #map1}, {transform_indices = #map}, {transform_indices = #map}]} {
    %mul3A = arith.constant 2 : i32
    %mul3A_0 = arith.muli %arg1, %mul3A : i32
    %add3A = arith.addi %mul3A_0, %arg0 : i32
    %mul3A_1 = arith.constant 256 : i32
    %mul3A_2 = arith.muli %add3A, %mul3A_1 : i32
    %add3A_3 = arith.constant 0 : i32
    %add3A_4 = arith.addi %mul3A_2, %add3A_3 : i32
    "tpu.region"() ({
      %run_scoped3A = tpu.sem_alloc : memref<!tpu.dma_semaphore, #tpu.memory_space<semaphore_mem>>
      %dma_start3A_41 = tpu.memref_slice %arg4[%add3A_4] : memref<8192xi32, #tpu.memory_space<hbm>> -> memref<128xi32, #tpu.memory_space<hbm>>
      %dma_start3A_42 = tpu.memref_slice %arg4[%add3A_4] : memref<8192xi32, #tpu.memory_space<hbm>> -> memref<128xi32, #tpu.memory_space<hbm>>
      tpu.enqueue_dma source(%dma_start3A_42 : memref<128xi32, #tpu.memory_space<hbm>>) target(%arg8 : memref<128xi32, #tpu.memory_space<vmem>>) target_semaphore(%run_scoped3A : memref<!tpu.dma_semaphore, #tpu.memory_space<semaphore_mem>>)
      %dma_wait3A_43 = tpu.memref_slice %arg4[%add3A_4] : memref<8192xi32, #tpu.memory_space<hbm>> -> memref<128xi32, #tpu.memory_space<hbm>>
      %dma_wait3A_44 = tpu.memref_slice %arg4[%add3A_4] : memref<8192xi32, #tpu.memory_space<hbm>> -> memref<128xi32, #tpu.memory_space<hbm>>
      tpu.wait_dma2 semaphore(%run_scoped3A : memref<!tpu.dma_semaphore, #tpu.memory_space<semaphore_mem>>) src(%dma_wait3A_44 : memref<128xi32, #tpu.memory_space<hbm>>) dst(%arg8 : memref<128xi32, #tpu.memory_space<vmem>>)
      tpu.yield
    }) : () -> ()
    %dma_start3A = arith.constant 0 : i32
    %dma_start3A_5 = arith.constant 0 : i32
    %dma_start3A_6 = tpu.memref_slice %arg2[%dma_start3A, %dma_start3A_5] : memref<512x128xf32, #tpu.memory_space<hbm>> -> memref<512x128xf32, #tpu.memory_space<hbm>>
    tpu.enqueue_indirect_dma source(%dma_start3A_6 : memref<512x128xf32, #tpu.memory_space<hbm>>) target(%arg10 : memref<128x128xf32, #tpu.memory_space<vmem>>) offsets(%arg8 : memref<128xi32, #tpu.memory_space<vmem>>) semaphore(%arg12 : memref<!tpu.dma_semaphore, #tpu.memory_space<semaphore_mem>>)
    %add3A_7 = arith.constant 0 : i32
    %add3A_8 = arith.addi %mul3A_2, %add3A_7 : i32
    "tpu.region"() ({
      %run_scoped3A = tpu.sem_alloc : memref<!tpu.dma_semaphore, #tpu.memory_space<semaphore_mem>>
      %dma_start3A_41 = tpu.memref_slice %arg5[%add3A_8] : memref<8192xi32, #tpu.memory_space<hbm>> -> memref<128xi32, #tpu.memory_space<hbm>>
      %dma_start3A_42 = tpu.memref_slice %arg5[%add3A_8] : memref<8192xi32, #tpu.memory_space<hbm>> -> memref<128xi32, #tpu.memory_space<hbm>>
      tpu.enqueue_dma source(%dma_start3A_42 : memref<128xi32, #tpu.memory_space<hbm>>) target(%arg9 : memref<128xi32, #tpu.memory_space<vmem>>) target_semaphore(%run_scoped3A : memref<!tpu.dma_semaphore, #tpu.memory_space<semaphore_mem>>)
      %dma_wait3A_43 = tpu.memref_slice %arg5[%add3A_8] : memref<8192xi32, #tpu.memory_space<hbm>> -> memref<128xi32, #tpu.memory_space<hbm>>
      %dma_wait3A_44 = tpu.memref_slice %arg5[%add3A_8] : memref<8192xi32, #tpu.memory_space<hbm>> -> memref<128xi32, #tpu.memory_space<hbm>>
      tpu.wait_dma2 semaphore(%run_scoped3A : memref<!tpu.dma_semaphore, #tpu.memory_space<semaphore_mem>>) src(%dma_wait3A_44 : memref<128xi32, #tpu.memory_space<hbm>>) dst(%arg9 : memref<128xi32, #tpu.memory_space<vmem>>)
      tpu.yield
    }) : () -> ()
    %dma_start3A_9 = arith.constant 0 : i32
    %dma_start3A_10 = arith.constant 0 : i32
    %dma_start3A_11 = tpu.memref_slice %arg3[%dma_start3A_9, %dma_start3A_10] : memref<1024x128xf32, #tpu.memory_space<hbm>> -> memref<1024x128xf32, #tpu.memory_space<hbm>>
    tpu.enqueue_indirect_dma source(%dma_start3A_11 : memref<1024x128xf32, #tpu.memory_space<hbm>>) target(%arg11 : memref<128x128xf32, #tpu.memory_space<vmem>>) offsets(%arg9 : memref<128xi32, #tpu.memory_space<vmem>>) semaphore(%arg13 : memref<!tpu.dma_semaphore, #tpu.memory_space<semaphore_mem>>)
    %dma_wait3A = arith.constant 0 : i32
    %dma_wait3A_12 = arith.constant 0 : i32
    %dma_wait3A_13 = tpu.memref_slice %arg2[%dma_wait3A, %dma_wait3A_12] : memref<512x128xf32, #tpu.memory_space<hbm>> -> memref<512x128xf32, #tpu.memory_space<hbm>>
    tpu.wait_indirect_dma semaphore(%arg12 : memref<!tpu.dma_semaphore, #tpu.memory_space<semaphore_mem>>) src(%dma_wait3A_13 : memref<512x128xf32, #tpu.memory_space<hbm>>) dst(%arg10 : memref<128x128xf32, #tpu.memory_space<vmem>>)
    %add3A_14 = arith.constant 0 : i32
    %add3A_15 = arith.addi %mul3A_2, %add3A_14 : i32
    "tpu.region"() ({
      %run_scoped3A = tpu.sem_alloc : memref<!tpu.dma_semaphore, #tpu.memory_space<semaphore_mem>>
      %dma_start3A_41 = arith.constant 0 : i32
      %dma_start3A_42 = tpu.memref_slice %arg6[%add3A_15, %dma_start3A_41] : memref<8192x128xf32, #tpu.memory_space<hbm>> -> memref<128x128xf32, #tpu.memory_space<hbm>>
      %dma_start3A_43 = arith.constant 0 : i32
      %dma_start3A_44 = tpu.memref_slice %arg6[%add3A_15, %dma_start3A_43] : memref<8192x128xf32, #tpu.memory_space<hbm>> -> memref<128x128xf32, #tpu.memory_space<hbm>>
      tpu.enqueue_dma source(%arg10 : memref<128x128xf32, #tpu.memory_space<vmem>>) target(%dma_start3A_44 : memref<128x128xf32, #tpu.memory_space<hbm>>) target_semaphore(%run_scoped3A : memref<!tpu.dma_semaphore, #tpu.memory_space<semaphore_mem>>)
      %dma_wait3A_45 = arith.constant 0 : i32
      %dma_wait3A_46 = tpu.memref_slice %arg6[%add3A_15, %dma_wait3A_45] : memref<8192x128xf32, #tpu.memory_space<hbm>> -> memref<128x128xf32, #tpu.memory_space<hbm>>
      %dma_wait3A_47 = arith.constant 0 : i32
      %dma_wait3A_48 = tpu.memref_slice %arg6[%add3A_15, %dma_wait3A_47] : memref<8192x128xf32, #tpu.memory_space<hbm>> -> memref<128x128xf32, #tpu.memory_space<hbm>>
      tpu.wait_dma2 semaphore(%run_scoped3A : memref<!tpu.dma_semaphore, #tpu.memory_space<semaphore_mem>>) src(%arg10 : memref<128x128xf32, #tpu.memory_space<vmem>>) dst(%dma_wait3A_48 : memref<128x128xf32, #tpu.memory_space<hbm>>)
      tpu.yield
    }) : () -> ()
    %add3A_16 = arith.constant 128 : i32
    %add3A_17 = arith.addi %mul3A_2, %add3A_16 : i32
    "tpu.region"() ({
      %run_scoped3A = tpu.sem_alloc : memref<!tpu.dma_semaphore, #tpu.memory_space<semaphore_mem>>
      %dma_start3A_41 = tpu.memref_slice %arg4[%add3A_17] : memref<8192xi32, #tpu.memory_space<hbm>> -> memref<128xi32, #tpu.memory_space<hbm>>
      %dma_start3A_42 = tpu.memref_slice %arg4[%add3A_17] : memref<8192xi32, #tpu.memory_space<hbm>> -> memref<128xi32, #tpu.memory_space<hbm>>
      tpu.enqueue_dma source(%dma_start3A_42 : memref<128xi32, #tpu.memory_space<hbm>>) target(%arg8 : memref<128xi32, #tpu.memory_space<vmem>>) target_semaphore(%run_scoped3A : memref<!tpu.dma_semaphore, #tpu.memory_space<semaphore_mem>>)
      %dma_wait3A_43 = tpu.memref_slice %arg4[%add3A_17] : memref<8192xi32, #tpu.memory_space<hbm>> -> memref<128xi32, #tpu.memory_space<hbm>>
      %dma_wait3A_44 = tpu.memref_slice %arg4[%add3A_17] : memref<8192xi32, #tpu.memory_space<hbm>> -> memref<128xi32, #tpu.memory_space<hbm>>
      tpu.wait_dma2 semaphore(%run_scoped3A : memref<!tpu.dma_semaphore, #tpu.memory_space<semaphore_mem>>) src(%dma_wait3A_44 : memref<128xi32, #tpu.memory_space<hbm>>) dst(%arg8 : memref<128xi32, #tpu.memory_space<vmem>>)
      tpu.yield
    }) : () -> ()
    %dma_start3A_18 = arith.constant 0 : i32
    %dma_start3A_19 = arith.constant 0 : i32
    %dma_start3A_20 = tpu.memref_slice %arg2[%dma_start3A_18, %dma_start3A_19] : memref<512x128xf32, #tpu.memory_space<hbm>> -> memref<512x128xf32, #tpu.memory_space<hbm>>
    tpu.enqueue_indirect_dma source(%dma_start3A_20 : memref<512x128xf32, #tpu.memory_space<hbm>>) target(%arg10 : memref<128x128xf32, #tpu.memory_space<vmem>>) offsets(%arg8 : memref<128xi32, #tpu.memory_space<vmem>>) semaphore(%arg12 : memref<!tpu.dma_semaphore, #tpu.memory_space<semaphore_mem>>)
    %dma_wait3A_21 = arith.constant 0 : i32
    %dma_wait3A_22 = arith.constant 0 : i32
    %dma_wait3A_23 = tpu.memref_slice %arg3[%dma_wait3A_21, %dma_wait3A_22] : memref<1024x128xf32, #tpu.memory_space<hbm>> -> memref<1024x128xf32, #tpu.memory_space<hbm>>
    tpu.wait_indirect_dma semaphore(%arg13 : memref<!tpu.dma_semaphore, #tpu.memory_space<semaphore_mem>>) src(%dma_wait3A_23 : memref<1024x128xf32, #tpu.memory_space<hbm>>) dst(%arg11 : memref<128x128xf32, #tpu.memory_space<vmem>>)
    %add3A_24 = arith.constant 0 : i32
    %add3A_25 = arith.addi %mul3A_2, %add3A_24 : i32
    "tpu.region"() ({
      %run_scoped3A = tpu.sem_alloc : memref<!tpu.dma_semaphore, #tpu.memory_space<semaphore_mem>>
      %dma_start3A_41 = arith.constant 0 : i32
      %dma_start3A_42 = tpu.memref_slice %arg7[%add3A_25, %dma_start3A_41] : memref<8192x128xf32, #tpu.memory_space<hbm>> -> memref<128x128xf32, #tpu.memory_space<hbm>>
      %dma_start3A_43 = arith.constant 0 : i32
      %dma_start3A_44 = tpu.memref_slice %arg7[%add3A_25, %dma_start3A_43] : memref<8192x128xf32, #tpu.memory_space<hbm>> -> memref<128x128xf32, #tpu.memory_space<hbm>>
      tpu.enqueue_dma source(%arg11 : memref<128x128xf32, #tpu.memory_space<vmem>>) target(%dma_start3A_44 : memref<128x128xf32, #tpu.memory_space<hbm>>) target_semaphore(%run_scoped3A : memref<!tpu.dma_semaphore, #tpu.memory_space<semaphore_mem>>)
      %dma_wait3A_45 = arith.constant 0 : i32
      %dma_wait3A_46 = tpu.memref_slice %arg7[%add3A_25, %dma_wait3A_45] : memref<8192x128xf32, #tpu.memory_space<hbm>> -> memref<128x128xf32, #tpu.memory_space<hbm>>
      %dma_wait3A_47 = arith.constant 0 : i32
      %dma_wait3A_48 = tpu.memref_slice %arg7[%add3A_25, %dma_wait3A_47] : memref<8192x128xf32, #tpu.memory_space<hbm>> -> memref<128x128xf32, #tpu.memory_space<hbm>>
      tpu.wait_dma2 semaphore(%run_scoped3A : memref<!tpu.dma_semaphore, #tpu.memory_space<semaphore_mem>>) src(%arg11 : memref<128x128xf32, #tpu.memory_space<vmem>>) dst(%dma_wait3A_48 : memref<128x128xf32, #tpu.memory_space<hbm>>)
      tpu.yield
    }) : () -> ()
    %add3A_26 = arith.constant 128 : i32
    %add3A_27 = arith.addi %mul3A_2, %add3A_26 : i32
    "tpu.region"() ({
      %run_scoped3A = tpu.sem_alloc : memref<!tpu.dma_semaphore, #tpu.memory_space<semaphore_mem>>
      %dma_start3A_41 = tpu.memref_slice %arg5[%add3A_27] : memref<8192xi32, #tpu.memory_space<hbm>> -> memref<128xi32, #tpu.memory_space<hbm>>
      %dma_start3A_42 = tpu.memref_slice %arg5[%add3A_27] : memref<8192xi32, #tpu.memory_space<hbm>> -> memref<128xi32, #tpu.memory_space<hbm>>
      tpu.enqueue_dma source(%dma_start3A_42 : memref<128xi32, #tpu.memory_space<hbm>>) target(%arg9 : memref<128xi32, #tpu.memory_space<vmem>>) target_semaphore(%run_scoped3A : memref<!tpu.dma_semaphore, #tpu.memory_space<semaphore_mem>>)
      %dma_wait3A_43 = tpu.memref_slice %arg5[%add3A_27] : memref<8192xi32, #tpu.memory_space<hbm>> -> memref<128xi32, #tpu.memory_space<hbm>>
      %dma_wait3A_44 = tpu.memref_slice %arg5[%add3A_27] : memref<8192xi32, #tpu.memory_space<hbm>> -> memref<128xi32, #tpu.memory_space<hbm>>
      tpu.wait_dma2 semaphore(%run_scoped3A : memref<!tpu.dma_semaphore, #tpu.memory_space<semaphore_mem>>) src(%dma_wait3A_44 : memref<128xi32, #tpu.memory_space<hbm>>) dst(%arg9 : memref<128xi32, #tpu.memory_space<vmem>>)
      tpu.yield
    }) : () -> ()
    %dma_start3A_28 = arith.constant 0 : i32
    %dma_start3A_29 = arith.constant 0 : i32
    %dma_start3A_30 = tpu.memref_slice %arg3[%dma_start3A_28, %dma_start3A_29] : memref<1024x128xf32, #tpu.memory_space<hbm>> -> memref<1024x128xf32, #tpu.memory_space<hbm>>
    tpu.enqueue_indirect_dma source(%dma_start3A_30 : memref<1024x128xf32, #tpu.memory_space<hbm>>) target(%arg11 : memref<128x128xf32, #tpu.memory_space<vmem>>) offsets(%arg9 : memref<128xi32, #tpu.memory_space<vmem>>) semaphore(%arg13 : memref<!tpu.dma_semaphore, #tpu.memory_space<semaphore_mem>>)
    %dma_wait3A_31 = arith.constant 0 : i32
    %dma_wait3A_32 = arith.constant 0 : i32
    %dma_wait3A_33 = tpu.memref_slice %arg2[%dma_wait3A_31, %dma_wait3A_32] : memref<512x128xf32, #tpu.memory_space<hbm>> -> memref<512x128xf32, #tpu.memory_space<hbm>>
    tpu.wait_indirect_dma semaphore(%arg12 : memref<!tpu.dma_semaphore, #tpu.memory_space<semaphore_mem>>) src(%dma_wait3A_33 : memref<512x128xf32, #tpu.memory_space<hbm>>) dst(%arg10 : memref<128x128xf32, #tpu.memory_space<vmem>>)
    %add3A_34 = arith.constant 128 : i32
    %add3A_35 = arith.addi %mul3A_2, %add3A_34 : i32
    "tpu.region"() ({
      %run_scoped3A = tpu.sem_alloc : memref<!tpu.dma_semaphore, #tpu.memory_space<semaphore_mem>>
      %dma_start3A_41 = arith.constant 0 : i32
      %dma_start3A_42 = tpu.memref_slice %arg6[%add3A_35, %dma_start3A_41] : memref<8192x128xf32, #tpu.memory_space<hbm>> -> memref<128x128xf32, #tpu.memory_space<hbm>>
      %dma_start3A_43 = arith.constant 0 : i32
      %dma_start3A_44 = tpu.memref_slice %arg6[%add3A_35, %dma_start3A_43] : memref<8192x128xf32, #tpu.memory_space<hbm>> -> memref<128x128xf32, #tpu.memory_space<hbm>>
      tpu.enqueue_dma source(%arg10 : memref<128x128xf32, #tpu.memory_space<vmem>>) target(%dma_start3A_44 : memref<128x128xf32, #tpu.memory_space<hbm>>) target_semaphore(%run_scoped3A : memref<!tpu.dma_semaphore, #tpu.memory_space<semaphore_mem>>)
      %dma_wait3A_45 = arith.constant 0 : i32
      %dma_wait3A_46 = tpu.memref_slice %arg6[%add3A_35, %dma_wait3A_45] : memref<8192x128xf32, #tpu.memory_space<hbm>> -> memref<128x128xf32, #tpu.memory_space<hbm>>
      %dma_wait3A_47 = arith.constant 0 : i32
      %dma_wait3A_48 = tpu.memref_slice %arg6[%add3A_35, %dma_wait3A_47] : memref<8192x128xf32, #tpu.memory_space<hbm>> -> memref<128x128xf32, #tpu.memory_space<hbm>>
      tpu.wait_dma2 semaphore(%run_scoped3A : memref<!tpu.dma_semaphore, #tpu.memory_space<semaphore_mem>>) src(%arg10 : memref<128x128xf32, #tpu.memory_space<vmem>>) dst(%dma_wait3A_48 : memref<128x128xf32, #tpu.memory_space<hbm>>)
      tpu.yield
    }) : () -> ()
    %dma_wait3A_36 = arith.constant 0 : i32
    %dma_wait3A_37 = arith.constant 0 : i32
    %dma_wait3A_38 = tpu.memref_slice %arg3[%dma_wait3A_36, %dma_wait3A_37] : memref<1024x128xf32, #tpu.memory_space<hbm>> -> memref<1024x128xf32, #tpu.memory_space<hbm>>
    tpu.wait_indirect_dma semaphore(%arg13 : memref<!tpu.dma_semaphore, #tpu.memory_space<semaphore_mem>>) src(%dma_wait3A_38 : memref<1024x128xf32, #tpu.memory_space<hbm>>) dst(%arg11 : memref<128x128xf32, #tpu.memory_space<vmem>>)
    %add3A_39 = arith.constant 128 : i32
    %add3A_40 = arith.addi %mul3A_2, %add3A_39 : i32
    "tpu.region"() ({
      %run_scoped3A = tpu.sem_alloc : memref<!tpu.dma_semaphore, #tpu.memory_space<semaphore_mem>>
      %dma_start3A_41 = arith.constant 0 : i32
      %dma_start3A_42 = tpu.memref_slice %arg7[%add3A_40, %dma_start3A_41] : memref<8192x128xf32, #tpu.memory_space<hbm>> -> memref<128x128xf32, #tpu.memory_space<hbm>>
      %dma_start3A_43 = arith.constant 0 : i32
      %dma_start3A_44 = tpu.memref_slice %arg7[%add3A_40, %dma_start3A_43] : memref<8192x128xf32, #tpu.memory_space<hbm>> -> memref<128x128xf32, #tpu.memory_space<hbm>>
      tpu.enqueue_dma source(%arg11 : memref<128x128xf32, #tpu.memory_space<vmem>>) target(%dma_start3A_44 : memref<128x128xf32, #tpu.memory_space<hbm>>) target_semaphore(%run_scoped3A : memref<!tpu.dma_semaphore, #tpu.memory_space<semaphore_mem>>)
      %dma_wait3A_45 = arith.constant 0 : i32
      %dma_wait3A_46 = tpu.memref_slice %arg7[%add3A_40, %dma_wait3A_45] : memref<8192x128xf32, #tpu.memory_space<hbm>> -> memref<128x128xf32, #tpu.memory_space<hbm>>
      %dma_wait3A_47 = arith.constant 0 : i32
      %dma_wait3A_48 = tpu.memref_slice %arg7[%add3A_40, %dma_wait3A_47] : memref<8192x128xf32, #tpu.memory_space<hbm>> -> memref<128x128xf32, #tpu.memory_space<hbm>>
      tpu.wait_dma2 semaphore(%run_scoped3A : memref<!tpu.dma_semaphore, #tpu.memory_space<semaphore_mem>>) src(%arg11 : memref<128x128xf32, #tpu.memory_space<vmem>>) dst(%dma_wait3A_48 : memref<128x128xf32, #tpu.memory_space<hbm>>)
      tpu.yield
    }) : () -> ()
    return
  }
}

module attributes {stable_mosaic.version = 14 : i64} {
  func.func @_vq_kernel(%arg0: i32, %arg1: memref<1024x64xf32, #tpu.memory_space<vmem>>, %arg2: memref<1024x64xf32, #tpu.memory_space<vmem>>, %arg3: memref<1536x128xf32, #tpu.memory_space<vmem>>, %arg4: memref<128x128xf32, #tpu.memory_space<vmem>>, %arg5: memref<128x1xf32, #tpu.memory_space<vmem>>, %arg6: memref<128x1xf32, #tpu.memory_space<vmem>>, %arg7: memref<128x1xf32, #tpu.memory_space<vmem>>, %arg8: memref<64x128xf32, #tpu.memory_space<vmem>>, %arg9: memref<64x1xf32, #tpu.memory_space<vmem>>, %arg10: memref<1536x64xf32, #tpu.memory_space<vmem>>, %arg11: memref<1536x1xf32, #tpu.memory_space<vmem>>, %arg12: memref<1024xf32, #tpu.memory_space<vmem>>, %arg13: memref<1024xf32, #tpu.memory_space<vmem>>, %arg14: memref<1024xi32, #tpu.memory_space<vmem>>, %arg15: memref<1024xi32, #tpu.memory_space<vmem>>, %arg16: memref<1x128xf32, #tpu.memory_space<vmem>>, %arg17: memref<1x128xf32, #tpu.memory_space<vmem>>, %arg18: memref<1536x1xf32, #tpu.memory_space<vmem>>) attributes {dimension_semantics = [#tpu.dimension_semantics<arbitrary>], iteration_bounds = array<i64: 8>, scalar_prefetch = 0 : i64, scratch_operands = 1 : i64, tpu.core_type = #tpu.core_type<tc>, window_params = [{transform_indices = @transform_0, window_bounds = array<i64: 1024, 64>}, {transform_indices = @transform_1, window_bounds = array<i64: 1024, 64>}, {pipeline_mode = #tpu.pipeline_mode<synchronous>, transform_indices = @transform_2, window_bounds = array<i64: 1536, 128>}, {pipeline_mode = #tpu.pipeline_mode<synchronous>, transform_indices = @transform_3, window_bounds = array<i64: 128, 128>}, {pipeline_mode = #tpu.pipeline_mode<synchronous>, transform_indices = @transform_4, window_bounds = array<i64: 128, 1>}, {pipeline_mode = #tpu.pipeline_mode<synchronous>, transform_indices = @transform_5, window_bounds = array<i64: 128, 1>}, {pipeline_mode = #tpu.pipeline_mode<synchronous>, transform_indices = @transform_6, window_bounds = array<i64: 128, 1>}, {pipeline_mode = #tpu.pipeline_mode<synchronous>, transform_indices = @transform_7, window_bounds = array<i64: 64, 128>}, {pipeline_mode = #tpu.pipeline_mode<synchronous>, transform_indices = @transform_8, window_bounds = array<i64: 64, 1>}, {pipeline_mode = #tpu.pipeline_mode<synchronous>, transform_indices = @transform_9, window_bounds = array<i64: 1536, 64>}, {pipeline_mode = #tpu.pipeline_mode<synchronous>, transform_indices = @transform_10, window_bounds = array<i64: 1536, 1>}, {transform_indices = @transform_11, window_bounds = array<i64: 1024>}, {transform_indices = @transform_12, window_bounds = array<i64: 1024>}, {transform_indices = @transform_13, window_bounds = array<i64: 1024>}, {transform_indices = @transform_14, window_bounds = array<i64: 1024>}, {pipeline_mode = #tpu.pipeline_mode<synchronous>, transform_indices = @transform_15, window_bounds = array<i64: 1, 128>}, {pipeline_mode = #tpu.pipeline_mode<synchronous>, transform_indices = @transform_16, window_bounds = array<i64: 1, 128>}]} {
    %eq3A = arith.constant 0 : i32
    %eq3A_0 = arith.cmpi eq, %arg0, %eq3A : i32
    %convert_element_type3A = arith.extui %eq3A_0 : i1 to i32
    %cond3A = arith.constant 0 : i32
    %cond3A_1 = arith.cmpi ne, %convert_element_type3A, %cond3A : i32
    scf.if %cond3A_1 {
      %get3A_290 = arith.constant 0 : index
      %get3A_291 = arith.constant 0 : index
      %get3A_292 = vector.load %arg3[%get3A_290, %get3A_291] : memref<1536x128xf32, #tpu.memory_space<vmem>>, vector<1536x128xf32>
      %integer_pow3A_293 = arith.mulf %get3A_292, %get3A_292 : vector<1536x128xf32>
      %reduce_sum3A_294 = arith.constant dense<0.000000e+00> : vector<1536xf32>
      %reduce_sum3A_295 = vector.multi_reduction <add>, %integer_pow3A_293, %reduce_sum3A_294 [1] : vector<1536x128xf32> to vector<1536xf32>
      %broadcast_in_dim3A_296 = vector.shape_cast %reduce_sum3A_295 : vector<1536xf32> to vector<1536x1xf32>
      %swap3A_297 = arith.constant 0 : index
      %swap3A_298 = arith.constant 0 : index
      %swap3A_299 = vector.load %arg18[%swap3A_297, %swap3A_298] : memref<1536x1xf32, #tpu.memory_space<vmem>>, vector<1536x1xf32>
      tpu.vector_store %arg18[%swap3A_297, %swap3A_298], %broadcast_in_dim3A_296 {strides = array<i32>} : memref<1536x1xf32, #tpu.memory_space<vmem>>, vector<1536x1xf32>,
    } else {
    }
    %get3A = arith.constant 0 : index
    %get3A_2 = arith.constant 0 : index
    %get3A_3 = vector.load %arg1[%get3A, %get3A_2] : memref<1024x64xf32, #tpu.memory_space<vmem>>, vector<1024x64xf32>
    %transpose3A = tpu.transpose %get3A_3, [1, 0] : vector<1024x64xf32> -> vector<64x1024xf32>
    %get3A_4 = arith.constant 0 : index
    %get3A_5 = arith.constant 0 : index
    %get3A_6 = vector.load %arg2[%get3A_4, %get3A_5] : memref<1024x64xf32, #tpu.memory_space<vmem>>, vector<1024x64xf32>
    %transpose3A_7 = tpu.transpose %get3A_6, [1, 0] : vector<1024x64xf32> -> vector<64x1024xf32>
    %concatenate3A = tpu.concatenate %transpose3A, %transpose3A_7 in 0 : vector<64x1024xf32>, vector<64x1024xf32> -> vector<128x1024xf32>
    %get3A_8 = arith.constant 0 : index
    %get3A_9 = arith.constant 0 : index
    %get3A_10 = vector.load %arg4[%get3A_8, %get3A_9] : memref<128x128xf32, #tpu.memory_space<vmem>>, vector<128x128xf32>
    %dot_general3A = arith.constant dense<0.000000e+00> : vector<128x1024xf32>
    %dot_general3A_11 = tpu.matmul %get3A_10, %concatenate3A, %dot_general3A {dimension_numbers = #tpu.dot_dimension_numbers<[1], [0], [0], [1], [0, 0, 1, 1], [], []>, transpose_lhs_hint = false} : vector<128x128xf32>, vector<128x1024xf32>, vector<128x1024xf32> -> vector<128x1024xf32>
    %get3A_12 = arith.constant 0 : index
    %get3A_13 = arith.constant 0 : index
    %get3A_14 = vector.load %arg5[%get3A_12, %get3A_13] : memref<128x1xf32, #tpu.memory_space<vmem>>, vector<128x1xf32>
    %add3A = vector.broadcast %get3A_14 : vector<128x1xf32> to vector<128x1024xf32>
    %add3A_15 = arith.addf %dot_general3A_11, %add3A : vector<128x1024xf32>
    %slice3A = vector.extract_strided_slice %add3A_15 {offsets = [0, 0], sizes = [64, 1024], strides = [1, 1]} : vector<128x1024xf32> to vector<64x1024xf32>
    %reduce_sum3A = arith.constant dense<0.000000e+00> : vector<1024xf32>
    %reduce_sum3A_16 = vector.multi_reduction <add>, %slice3A, %reduce_sum3A [0] : vector<64x1024xf32> to vector<1024xf32>
    %broadcast_in_dim3A = vector.shape_cast %reduce_sum3A_16 : vector<1024xf32> to vector<1x1024xf32>
    %div3A = arith.constant 6.400000e+01 : f32
    %div3A_17 = vector.broadcast %div3A : f32 to vector<1x1024xf32>
    %div3A_18 = arith.divf %broadcast_in_dim3A, %div3A_17 : vector<1x1024xf32>
    %sub3A = vector.broadcast %div3A_18 : vector<1x1024xf32> to vector<64x1024xf32>
    %sub3A_19 = arith.subf %slice3A, %sub3A : vector<64x1024xf32>
    %integer_pow3A = arith.mulf %sub3A_19, %sub3A_19 : vector<64x1024xf32>
    %reduce_sum3A_20 = arith.constant dense<0.000000e+00> : vector<1024xf32>
    %reduce_sum3A_21 = vector.multi_reduction <add>, %integer_pow3A, %reduce_sum3A_20 [0] : vector<64x1024xf32> to vector<1024xf32>
    %broadcast_in_dim3A_22 = vector.shape_cast %reduce_sum3A_21 : vector<1024xf32> to vector<1x1024xf32>
    %div3A_23 = arith.constant 6.400000e+01 : f32
    %div3A_24 = vector.broadcast %div3A_23 : f32 to vector<1x1024xf32>
    %div3A_25 = arith.divf %broadcast_in_dim3A_22, %div3A_24 : vector<1x1024xf32>
    %sub3A_26 = vector.broadcast %div3A_18 : vector<1x1024xf32> to vector<64x1024xf32>
    %sub3A_27 = arith.subf %slice3A, %sub3A_26 : vector<64x1024xf32>
    %add3A_28 = arith.constant 9.99999974E-6 : f32
    %add3A_29 = vector.broadcast %add3A_28 : f32 to vector<1x1024xf32>
    %add3A_30 = arith.addf %div3A_25, %add3A_29 : vector<1x1024xf32>
    %sqrt3A = math.sqrt %add3A_30 : vector<1x1024xf32>
    %div3A_31 = vector.broadcast %sqrt3A : vector<1x1024xf32> to vector<64x1024xf32>
    %div3A_32 = arith.divf %sub3A_27, %div3A_31 : vector<64x1024xf32>
    %slice3A_33 = vector.extract_strided_slice %add3A_15 {offsets = [64, 0], sizes = [64, 1024], strides = [1, 1]} : vector<128x1024xf32> to vector<64x1024xf32>
    %reduce_sum3A_34 = arith.constant dense<0.000000e+00> : vector<1024xf32>
    %reduce_sum3A_35 = vector.multi_reduction <add>, %slice3A_33, %reduce_sum3A_34 [0] : vector<64x1024xf32> to vector<1024xf32>
    %broadcast_in_dim3A_36 = vector.shape_cast %reduce_sum3A_35 : vector<1024xf32> to vector<1x1024xf32>
    %div3A_37 = arith.constant 6.400000e+01 : f32
    %div3A_38 = vector.broadcast %div3A_37 : f32 to vector<1x1024xf32>
    %div3A_39 = arith.divf %broadcast_in_dim3A_36, %div3A_38 : vector<1x1024xf32>
    %sub3A_40 = vector.broadcast %div3A_39 : vector<1x1024xf32> to vector<64x1024xf32>
    %sub3A_41 = arith.subf %slice3A_33, %sub3A_40 : vector<64x1024xf32>
    %integer_pow3A_42 = arith.mulf %sub3A_41, %sub3A_41 : vector<64x1024xf32>
    %reduce_sum3A_43 = arith.constant dense<0.000000e+00> : vector<1024xf32>
    %reduce_sum3A_44 = vector.multi_reduction <add>, %integer_pow3A_42, %reduce_sum3A_43 [0] : vector<64x1024xf32> to vector<1024xf32>
    %broadcast_in_dim3A_45 = vector.shape_cast %reduce_sum3A_44 : vector<1024xf32> to vector<1x1024xf32>
    %div3A_46 = arith.constant 6.400000e+01 : f32
    %div3A_47 = vector.broadcast %div3A_46 : f32 to vector<1x1024xf32>
    %div3A_48 = arith.divf %broadcast_in_dim3A_45, %div3A_47 : vector<1x1024xf32>
    %sub3A_49 = vector.broadcast %div3A_39 : vector<1x1024xf32> to vector<64x1024xf32>
    %sub3A_50 = arith.subf %slice3A_33, %sub3A_49 : vector<64x1024xf32>
    %add3A_51 = arith.constant 9.99999974E-6 : f32
    %add3A_52 = vector.broadcast %add3A_51 : f32 to vector<1x1024xf32>
    %add3A_53 = arith.addf %div3A_48, %add3A_52 : vector<1x1024xf32>
    %sqrt3A_54 = math.sqrt %add3A_53 : vector<1x1024xf32>
    %div3A_55 = vector.broadcast %sqrt3A_54 : vector<1x1024xf32> to vector<64x1024xf32>
    %div3A_56 = arith.divf %sub3A_50, %div3A_55 : vector<64x1024xf32>
    %concatenate3A_57 = tpu.concatenate %div3A_32, %div3A_56 in 0 : vector<64x1024xf32>, vector<64x1024xf32> -> vector<128x1024xf32>
    %get3A_58 = arith.constant 0 : index
    %get3A_59 = arith.constant 0 : index
    %get3A_60 = vector.load %arg6[%get3A_58, %get3A_59] : memref<128x1xf32, #tpu.memory_space<vmem>>, vector<128x1xf32>
    %mul3A = vector.broadcast %get3A_60 : vector<128x1xf32> to vector<128x1024xf32>
    %mul3A_61 = arith.mulf %concatenate3A_57, %mul3A : vector<128x1024xf32>
    %get3A_62 = arith.constant 0 : index
    %get3A_63 = arith.constant 0 : index
    %get3A_64 = vector.load %arg7[%get3A_62, %get3A_63] : memref<128x1xf32, #tpu.memory_space<vmem>>, vector<128x1xf32>
    %add3A_65 = vector.broadcast %get3A_64 : vector<128x1xf32> to vector<128x1024xf32>
    %add3A_66 = arith.addf %mul3A_61, %add3A_65 : vector<128x1024xf32>
    %max3A = arith.constant 0.000000e+00 : f32
    %max3A_67 = vector.broadcast %max3A : f32 to vector<128x1024xf32>
    %max3A_68 = arith.maximumf %add3A_66, %max3A_67 : vector<128x1024xf32>
    %get3A_69 = arith.constant 0 : index
    %get3A_70 = arith.constant 0 : index
    %get3A_71 = vector.load %arg8[%get3A_69, %get3A_70] : memref<64x128xf32, #tpu.memory_space<vmem>>, vector<64x128xf32>
    %dot_general3A_72 = arith.constant dense<0.000000e+00> : vector<64x1024xf32>
    %dot_general3A_73 = tpu.matmul %get3A_71, %max3A_68, %dot_general3A_72 {dimension_numbers = #tpu.dot_dimension_numbers<[1], [0], [0], [1], [0, 0, 1, 1], [], []>, transpose_lhs_hint = false} : vector<64x128xf32>, vector<128x1024xf32>, vector<64x1024xf32> -> vector<64x1024xf32>
    %get3A_74 = arith.constant 0 : index
    %get3A_75 = arith.constant 0 : index
    %get3A_76 = vector.load %arg9[%get3A_74, %get3A_75] : memref<64x1xf32, #tpu.memory_space<vmem>>, vector<64x1xf32>
    %add3A_77 = vector.broadcast %get3A_76 : vector<64x1xf32> to vector<64x1024xf32>
    %add3A_78 = arith.addf %dot_general3A_73, %add3A_77 : vector<64x1024xf32>
    %max3A_79 = arith.constant 0.000000e+00 : f32
    %max3A_80 = vector.broadcast %max3A_79 : f32 to vector<64x1024xf32>
    %max3A_81 = arith.maximumf %add3A_78, %max3A_80 : vector<64x1024xf32>
    %get3A_82 = arith.constant 0 : index
    %get3A_83 = arith.constant 0 : index
    %get3A_84 = vector.load %arg10[%get3A_82, %get3A_83] : memref<1536x64xf32, #tpu.memory_space<vmem>>, vector<1536x64xf32>
    %dot_general3A_85 = arith.constant dense<0.000000e+00> : vector<1536x1024xf32>
    %dot_general3A_86 = tpu.matmul %get3A_84, %max3A_81, %dot_general3A_85 {dimension_numbers = #tpu.dot_dimension_numbers<[1], [0], [0], [1], [0, 0, 1, 1], [], []>, transpose_lhs_hint = false} : vector<1536x64xf32>, vector<64x1024xf32>, vector<1536x1024xf32> -> vector<1536x1024xf32>
    %get3A_87 = arith.constant 0 : index
    %get3A_88 = arith.constant 0 : index
    %get3A_89 = vector.load %arg11[%get3A_87, %get3A_88] : memref<1536x1xf32, #tpu.memory_space<vmem>>, vector<1536x1xf32>
    %add3A_90 = vector.broadcast %get3A_89 : vector<1536x1xf32> to vector<1536x1024xf32>
    %add3A_91 = arith.addf %dot_general3A_86, %add3A_90 : vector<1536x1024xf32>
    %get3A_92 = arith.constant 0 : index
    %get3A_93 = arith.constant 0 : index
    %get3A_94 = vector.load %arg18[%get3A_92, %get3A_93] : memref<1536x1xf32, #tpu.memory_space<vmem>>, vector<1536x1xf32>
    %get3A_95 = arith.constant 0 : index
    %get3A_96 = arith.constant 0 : index
    %get3A_97 = vector.load %arg3[%get3A_95, %get3A_96] : memref<1536x128xf32, #tpu.memory_space<vmem>>, vector<1536x128xf32>
    %dot_general3A_98 = arith.constant dense<0.000000e+00> : vector<1536x1024xf32>
    %dot_general3A_99 = tpu.matmul %get3A_97, %concatenate3A, %dot_general3A_98 {dimension_numbers = #tpu.dot_dimension_numbers<[1], [0], [0], [1], [0, 0, 1, 1], [], []>, transpose_lhs_hint = false} : vector<1536x128xf32>, vector<128x1024xf32>, vector<1536x1024xf32> -> vector<1536x1024xf32>
    %mul3A_100 = arith.constant 2.000000e+00 : f32
    %mul3A_101 = vector.broadcast %mul3A_100 : f32 to vector<1536x1024xf32>
    %mul3A_102 = arith.mulf %mul3A_101, %dot_general3A_99 : vector<1536x1024xf32>
    %sub3A_103 = vector.broadcast %get3A_94 : vector<1536x1xf32> to vector<1536x1024xf32>
    %sub3A_104 = arith.subf %sub3A_103, %mul3A_102 : vector<1536x1024xf32>
    %slice3A_105 = vector.extract_strided_slice %concatenate3A {offsets = [0, 0], sizes = [64, 1024], strides = [1, 1]} : vector<128x1024xf32> to vector<64x1024xf32>
    %integer_pow3A_106 = arith.mulf %slice3A_105, %slice3A_105 : vector<64x1024xf32>
    %reduce_sum3A_107 = arith.constant dense<0.000000e+00> : vector<1024xf32>
    %reduce_sum3A_108 = vector.multi_reduction <add>, %integer_pow3A_106, %reduce_sum3A_107 [0] : vector<64x1024xf32> to vector<1024xf32>
    %slice3A_109 = vector.extract_strided_slice %concatenate3A {offsets = [64, 0], sizes = [64, 1024], strides = [1, 1]} : vector<128x1024xf32> to vector<64x1024xf32>
    %integer_pow3A_110 = arith.mulf %slice3A_109, %slice3A_109 : vector<64x1024xf32>
    %reduce_sum3A_111 = arith.constant dense<0.000000e+00> : vector<1024xf32>
    %reduce_sum3A_112 = vector.multi_reduction <add>, %integer_pow3A_110, %reduce_sum3A_111 [0] : vector<64x1024xf32> to vector<1024xf32>
    %slice3A_113 = vector.extract_strided_slice %sub3A_104 {offsets = [0, 0], sizes = [512, 1024], strides = [1, 1]} : vector<1536x1024xf32> to vector<512x1024xf32>
    %slice3A_114 = vector.extract_strided_slice %add3A_91 {offsets = [0, 0], sizes = [512, 1024], strides = [1, 1]} : vector<1536x1024xf32> to vector<512x1024xf32>
    %reduce_sum3A_115 = arith.constant dense<0.000000e+00> : vector<1024xf32>
    %reduce_sum3A_116 = vector.multi_reduction <add>, %slice3A_113, %reduce_sum3A_115 [0] : vector<512x1024xf32> to vector<1024xf32>
    %broadcast_in_dim3A_117 = vector.shape_cast %reduce_sum3A_116 : vector<1024xf32> to vector<1x1024xf32>
    %mul3A_118 = arith.constant 0.001953125 : f32
    %mul3A_119 = vector.broadcast %mul3A_118 : f32 to vector<1x1024xf32>
    %mul3A_120 = arith.mulf %broadcast_in_dim3A_117, %mul3A_119 : vector<1x1024xf32>
    %mul3A_121 = arith.mulf %slice3A_113, %slice3A_113 : vector<512x1024xf32>
    %reduce_sum3A_122 = arith.constant dense<0.000000e+00> : vector<1024xf32>
    %reduce_sum3A_123 = vector.multi_reduction <add>, %mul3A_121, %reduce_sum3A_122 [0] : vector<512x1024xf32> to vector<1024xf32>
    %broadcast_in_dim3A_124 = vector.shape_cast %reduce_sum3A_123 : vector<1024xf32> to vector<1x1024xf32>
    %mul3A_125 = arith.constant 0.001953125 : f32
    %mul3A_126 = vector.broadcast %mul3A_125 : f32 to vector<1x1024xf32>
    %mul3A_127 = arith.mulf %broadcast_in_dim3A_124, %mul3A_126 : vector<1x1024xf32>
    %mul3A_128 = arith.mulf %mul3A_120, %mul3A_120 : vector<1x1024xf32>
    %sub3A_129 = arith.subf %mul3A_127, %mul3A_128 : vector<1x1024xf32>
    %max3A_130 = arith.constant 0.000000e+00 : f32
    %max3A_131 = vector.broadcast %max3A_130 : f32 to vector<1x1024xf32>
    %max3A_132 = arith.maximumf %sub3A_129, %max3A_131 : vector<1x1024xf32>
    %add3A_133 = arith.constant 9.99999974E-6 : f32
    %add3A_134 = vector.broadcast %add3A_133 : f32 to vector<1x1024xf32>
    %add3A_135 = arith.addf %max3A_132, %add3A_134 : vector<1x1024xf32>
    %rsqrt3A = math.rsqrt %add3A_135 : vector<1x1024xf32>
    %reduce_sum3A_136 = arith.constant dense<0.000000e+00> : vector<1024xf32>
    %reduce_sum3A_137 = vector.multi_reduction <add>, %slice3A_114, %reduce_sum3A_136 [0] : vector<512x1024xf32> to vector<1024xf32>
    %broadcast_in_dim3A_138 = vector.shape_cast %reduce_sum3A_137 : vector<1024xf32> to vector<1x1024xf32>
    %mul3A_139 = arith.constant 0.001953125 : f32
    %mul3A_140 = vector.broadcast %mul3A_139 : f32 to vector<1x1024xf32>
    %mul3A_141 = arith.mulf %broadcast_in_dim3A_138, %mul3A_140 : vector<1x1024xf32>
    %mul3A_142 = arith.mulf %slice3A_114, %slice3A_114 : vector<512x1024xf32>
    %reduce_sum3A_143 = arith.constant dense<0.000000e+00> : vector<1024xf32>
    %reduce_sum3A_144 = vector.multi_reduction <add>, %mul3A_142, %reduce_sum3A_143 [0] : vector<512x1024xf32> to vector<1024xf32>
    %broadcast_in_dim3A_145 = vector.shape_cast %reduce_sum3A_144 : vector<1024xf32> to vector<1x1024xf32>
    %mul3A_146 = arith.constant 0.001953125 : f32
    %mul3A_147 = vector.broadcast %mul3A_146 : f32 to vector<1x1024xf32>
    %mul3A_148 = arith.mulf %broadcast_in_dim3A_145, %mul3A_147 : vector<1x1024xf32>
    %mul3A_149 = arith.mulf %mul3A_141, %mul3A_141 : vector<1x1024xf32>
    %sub3A_150 = arith.subf %mul3A_148, %mul3A_149 : vector<1x1024xf32>
    %max3A_151 = arith.constant 0.000000e+00 : f32
    %max3A_152 = vector.broadcast %max3A_151 : f32 to vector<1x1024xf32>
    %max3A_153 = arith.maximumf %sub3A_150, %max3A_152 : vector<1x1024xf32>
    %add3A_154 = arith.constant 9.99999974E-6 : f32
    %add3A_155 = vector.broadcast %add3A_154 : f32 to vector<1x1024xf32>
    %add3A_156 = arith.addf %max3A_153, %add3A_155 : vector<1x1024xf32>
    %rsqrt3A_157 = math.rsqrt %add3A_156 : vector<1x1024xf32>
    %mul3A_158 = arith.constant 3.000000e+00 : f32
    %mul3A_159 = vector.broadcast %mul3A_158 : f32 to vector<1x1024xf32>
    %mul3A_160 = arith.mulf %rsqrt3A_157, %mul3A_159 : vector<1x1024xf32>
    %mul3A_161 = vector.broadcast %rsqrt3A : vector<1x1024xf32> to vector<512x1024xf32>
    %mul3A_162 = arith.mulf %slice3A_113, %mul3A_161 : vector<512x1024xf32>
    %mul3A_163 = vector.broadcast %mul3A_160 : vector<1x1024xf32> to vector<512x1024xf32>
    %mul3A_164 = arith.mulf %slice3A_114, %mul3A_163 : vector<512x1024xf32>
    %sub3A_165 = arith.subf %mul3A_162, %mul3A_164 : vector<512x1024xf32>
    %argmin3A = tpu.reduce_index %sub3A_165 {axis = 0 : i32, kind = #tpu.reduction_kind<arg_min>} : vector<512x1024xf32> -> vector<1024xi32>
    %argmin3A_166 = tpu.reduce_index %slice3A_113 {axis = 0 : i32, kind = #tpu.reduction_kind<arg_min>} : vector<512x1024xf32> -> vector<1024xi32>
    %iota3A = tpu.iota {dimensions = array<i32: 0>} : vector<512x1024xi32>
    %broadcast_in_dim3A_167 = vector.shape_cast %argmin3A : vector<1024xi32> to vector<1x1024xi32>
    %eq3A_168 = vector.broadcast %broadcast_in_dim3A_167 : vector<1x1024xi32> to vector<512x1024xi32>
    %eq3A_169 = arith.cmpi eq, %iota3A, %eq3A_168 : vector<512x1024xi32>
    %jit3A = arith.constant 0.000000e+00 : f32
    %broadcast_in_dim3A_170 = vector.broadcast %jit3A : f32 to vector<512x1024xf32>
    %select_n3A = arith.select %eq3A_169, %slice3A_113, %broadcast_in_dim3A_170 : vector<512x1024xi1>, vector<512x1024xf32>
    %reduce_sum3A_171 = arith.constant dense<0.000000e+00> : vector<1024xf32>
    %reduce_sum3A_172 = vector.multi_reduction <add>, %select_n3A, %reduce_sum3A_171 [0] : vector<512x1024xf32> to vector<1024xf32>
    %add3A_173 = arith.addf %reduce_sum3A_172, %reduce_sum3A_108 : vector<1024xf32>
    %mul3A_174 = arith.constant 0.01953125 : f32
    %mul3A_175 = vector.broadcast %mul3A_174 : f32 to vector<1024xf32>
    %mul3A_176 = arith.mulf %mul3A_175, %add3A_173 : vector<1024xf32>
    %ne3A = arith.cmpi ne, %argmin3A, %argmin3A_166 : vector<1024xi32>
    %convert_element_type3A_177 = arith.extui %ne3A : vector<1024xi1> to vector<1024xi32>
    %convert_element_type3A_178 = arith.sitofp %convert_element_type3A_177 : vector<1024xi32> to vector<1024xf32>
    %reshape3A = vector.shape_cast %convert_element_type3A_178 : vector<1024xf32> to vector<8x128xf32>
    %reduce_sum3A_179 = arith.constant dense<0.000000e+00> : vector<128xf32>
    %reduce_sum3A_180 = vector.multi_reduction <add>, %reshape3A, %reduce_sum3A_179 [0] : vector<8x128xf32> to vector<128xf32>
    %broadcast_in_dim3A_181 = vector.shape_cast %reduce_sum3A_180 : vector<128xf32> to vector<1x128xf32>
    %slice3A_182 = vector.extract_strided_slice %sub3A_104 {offsets = [512, 0], sizes = [1024, 1024], strides = [1, 1]} : vector<1536x1024xf32> to vector<1024x1024xf32>
    %slice3A_183 = vector.extract_strided_slice %add3A_91 {offsets = [512, 0], sizes = [1024, 1024], strides = [1, 1]} : vector<1536x1024xf32> to vector<1024x1024xf32>
    %reduce_sum3A_184 = arith.constant dense<0.000000e+00> : vector<1024xf32>
    %reduce_sum3A_185 = vector.multi_reduction <add>, %slice3A_182, %reduce_sum3A_184 [0] : vector<1024x1024xf32> to vector<1024xf32>
    %broadcast_in_dim3A_186 = vector.shape_cast %reduce_sum3A_185 : vector<1024xf32> to vector<1x1024xf32>
    %mul3A_187 = arith.constant 9.765625E-4 : f32
    %mul3A_188 = vector.broadcast %mul3A_187 : f32 to vector<1x1024xf32>
    %mul3A_189 = arith.mulf %broadcast_in_dim3A_186, %mul3A_188 : vector<1x1024xf32>
    %mul3A_190 = arith.mulf %slice3A_182, %slice3A_182 : vector<1024x1024xf32>
    %reduce_sum3A_191 = arith.constant dense<0.000000e+00> : vector<1024xf32>
    %reduce_sum3A_192 = vector.multi_reduction <add>, %mul3A_190, %reduce_sum3A_191 [0] : vector<1024x1024xf32> to vector<1024xf32>
    %broadcast_in_dim3A_193 = vector.shape_cast %reduce_sum3A_192 : vector<1024xf32> to vector<1x1024xf32>
    %mul3A_194 = arith.constant 9.765625E-4 : f32
    %mul3A_195 = vector.broadcast %mul3A_194 : f32 to vector<1x1024xf32>
    %mul3A_196 = arith.mulf %broadcast_in_dim3A_193, %mul3A_195 : vector<1x1024xf32>
    %mul3A_197 = arith.mulf %mul3A_189, %mul3A_189 : vector<1x1024xf32>
    %sub3A_198 = arith.subf %mul3A_196, %mul3A_197 : vector<1x1024xf32>
    %max3A_199 = arith.constant 0.000000e+00 : f32
    %max3A_200 = vector.broadcast %max3A_199 : f32 to vector<1x1024xf32>
    %max3A_201 = arith.maximumf %sub3A_198, %max3A_200 : vector<1x1024xf32>
    %add3A_202 = arith.constant 9.99999974E-6 : f32
    %add3A_203 = vector.broadcast %add3A_202 : f32 to vector<1x1024xf32>
    %add3A_204 = arith.addf %max3A_201, %add3A_203 : vector<1x1024xf32>
    %rsqrt3A_205 = math.rsqrt %add3A_204 : vector<1x1024xf32>
    %reduce_sum3A_206 = arith.constant dense<0.000000e+00> : vector<1024xf32>
    %reduce_sum3A_207 = vector.multi_reduction <add>, %slice3A_183, %reduce_sum3A_206 [0] : vector<1024x1024xf32> to vector<1024xf32>
    %broadcast_in_dim3A_208 = vector.shape_cast %reduce_sum3A_207 : vector<1024xf32> to vector<1x1024xf32>
    %mul3A_209 = arith.constant 9.765625E-4 : f32
    %mul3A_210 = vector.broadcast %mul3A_209 : f32 to vector<1x1024xf32>
    %mul3A_211 = arith.mulf %broadcast_in_dim3A_208, %mul3A_210 : vector<1x1024xf32>
    %mul3A_212 = arith.mulf %slice3A_183, %slice3A_183 : vector<1024x1024xf32>
    %reduce_sum3A_213 = arith.constant dense<0.000000e+00> : vector<1024xf32>
    %reduce_sum3A_214 = vector.multi_reduction <add>, %mul3A_212, %reduce_sum3A_213 [0] : vector<1024x1024xf32> to vector<1024xf32>
    %broadcast_in_dim3A_215 = vector.shape_cast %reduce_sum3A_214 : vector<1024xf32> to vector<1x1024xf32>
    %mul3A_216 = arith.constant 9.765625E-4 : f32
    %mul3A_217 = vector.broadcast %mul3A_216 : f32 to vector<1x1024xf32>
    %mul3A_218 = arith.mulf %broadcast_in_dim3A_215, %mul3A_217 : vector<1x1024xf32>
    %mul3A_219 = arith.mulf %mul3A_211, %mul3A_211 : vector<1x1024xf32>
    %sub3A_220 = arith.subf %mul3A_218, %mul3A_219 : vector<1x1024xf32>
    %max3A_221 = arith.constant 0.000000e+00 : f32
    %max3A_222 = vector.broadcast %max3A_221 : f32 to vector<1x1024xf32>
    %max3A_223 = arith.maximumf %sub3A_220, %max3A_222 : vector<1x1024xf32>
    %add3A_224 = arith.constant 9.99999974E-6 : f32
    %add3A_225 = vector.broadcast %add3A_224 : f32 to vector<1x1024xf32>
    %add3A_226 = arith.addf %max3A_223, %add3A_225 : vector<1x1024xf32>
    %rsqrt3A_227 = math.rsqrt %add3A_226 : vector<1x1024xf32>
    %mul3A_228 = arith.constant 3.000000e+00 : f32
    %mul3A_229 = vector.broadcast %mul3A_228 : f32 to vector<1x1024xf32>
    %mul3A_230 = arith.mulf %rsqrt3A_227, %mul3A_229 : vector<1x1024xf32>
    %mul3A_231 = vector.broadcast %rsqrt3A_205 : vector<1x1024xf32> to vector<1024x1024xf32>
    %mul3A_232 = arith.mulf %slice3A_182, %mul3A_231 : vector<1024x1024xf32>
    %mul3A_233 = vector.broadcast %mul3A_230 : vector<1x1024xf32> to vector<1024x1024xf32>
    %mul3A_234 = arith.mulf %slice3A_183, %mul3A_233 : vector<1024x1024xf32>
    %sub3A_235 = arith.subf %mul3A_232, %mul3A_234 : vector<1024x1024xf32>
    %argmin3A_236 = tpu.reduce_index %sub3A_235 {axis = 0 : i32, kind = #tpu.reduction_kind<arg_min>} : vector<1024x1024xf32> -> vector<1024xi32>
    %argmin3A_237 = tpu.reduce_index %slice3A_182 {axis = 0 : i32, kind = #tpu.reduction_kind<arg_min>} : vector<1024x1024xf32> -> vector<1024xi32>
    %iota3A_238 = tpu.iota {dimensions = array<i32: 0>} : vector<1024x1024xi32>
    %broadcast_in_dim3A_239 = vector.shape_cast %argmin3A_236 : vector<1024xi32> to vector<1x1024xi32>
    %eq3A_240 = vector.broadcast %broadcast_in_dim3A_239 : vector<1x1024xi32> to vector<1024x1024xi32>
    %eq3A_241 = arith.cmpi eq, %iota3A_238, %eq3A_240 : vector<1024x1024xi32>
    %jit3A_242 = arith.constant 0.000000e+00 : f32
    %broadcast_in_dim3A_243 = vector.broadcast %jit3A_242 : f32 to vector<1024x1024xf32>
    %select_n3A_244 = arith.select %eq3A_241, %slice3A_182, %broadcast_in_dim3A_243 : vector<1024x1024xi1>, vector<1024x1024xf32>
    %reduce_sum3A_245 = arith.constant dense<0.000000e+00> : vector<1024xf32>
    %reduce_sum3A_246 = vector.multi_reduction <add>, %select_n3A_244, %reduce_sum3A_245 [0] : vector<1024x1024xf32> to vector<1024xf32>
    %add3A_247 = arith.addf %reduce_sum3A_246, %reduce_sum3A_112 : vector<1024xf32>
    %mul3A_248 = arith.constant 0.01953125 : f32
    %mul3A_249 = vector.broadcast %mul3A_248 : f32 to vector<1024xf32>
    %mul3A_250 = arith.mulf %mul3A_249, %add3A_247 : vector<1024xf32>
    %ne3A_251 = arith.cmpi ne, %argmin3A_236, %argmin3A_237 : vector<1024xi32>
    %convert_element_type3A_252 = arith.extui %ne3A_251 : vector<1024xi1> to vector<1024xi32>
    %convert_element_type3A_253 = arith.sitofp %convert_element_type3A_252 : vector<1024xi32> to vector<1024xf32>
    %reshape3A_254 = vector.shape_cast %convert_element_type3A_253 : vector<1024xf32> to vector<8x128xf32>
    %reduce_sum3A_255 = arith.constant dense<0.000000e+00> : vector<128xf32>
    %reduce_sum3A_256 = vector.multi_reduction <add>, %reshape3A_254, %reduce_sum3A_255 [0] : vector<8x128xf32> to vector<128xf32>
    %broadcast_in_dim3A_257 = vector.shape_cast %reduce_sum3A_256 : vector<128xf32> to vector<1x128xf32>
    %swap3A = arith.constant 0 : index
    %swap3A_258 = vector.load %arg12[%swap3A] : memref<1024xf32, #tpu.memory_space<vmem>>, vector<1024xf32>
    tpu.vector_store %arg12[%swap3A], %mul3A_176 {strides = array<i32>} : memref<1024xf32, #tpu.memory_space<vmem>>, vector<1024xf32>,
    %swap3A_259 = arith.constant 0 : index
    %swap3A_260 = vector.load %arg13[%swap3A_259] : memref<1024xf32, #tpu.memory_space<vmem>>, vector<1024xf32>
    tpu.vector_store %arg13[%swap3A_259], %mul3A_250 {strides = array<i32>} : memref<1024xf32, #tpu.memory_space<vmem>>, vector<1024xf32>,
    %swap3A_261 = arith.constant 0 : index
    %swap3A_262 = vector.load %arg14[%swap3A_261] : memref<1024xi32, #tpu.memory_space<vmem>>, vector<1024xi32>
    tpu.vector_store %arg14[%swap3A_261], %argmin3A {strides = array<i32>} : memref<1024xi32, #tpu.memory_space<vmem>>, vector<1024xi32>,
    %swap3A_263 = arith.constant 0 : index
    %swap3A_264 = vector.load %arg15[%swap3A_263] : memref<1024xi32, #tpu.memory_space<vmem>>, vector<1024xi32>
    tpu.vector_store %arg15[%swap3A_263], %argmin3A_236 {strides = array<i32>} : memref<1024xi32, #tpu.memory_space<vmem>>, vector<1024xi32>,
    %eq3A_265 = arith.constant 0 : i32
    %eq3A_266 = arith.cmpi eq, %arg0, %eq3A_265 : i32
    %convert_element_type3A_267 = arith.extui %eq3A_266 : i1 to i32
    %cond3A_268 = arith.constant 0 : i32
    %cond3A_269 = arith.cmpi ne, %convert_element_type3A_267, %cond3A_268 : i32
    scf.if %cond3A_269 {
      %broadcast_in_dim3A_290 = arith.constant 0.000000e+00 : f32
      %broadcast_in_dim3A_291 = vector.broadcast %broadcast_in_dim3A_290 : f32 to vector<1x128xf32>
      %swap3A_292 = arith.constant 0 : index
      %swap3A_293 = arith.constant 0 : index
      %swap3A_294 = vector.load %arg16[%swap3A_292, %swap3A_293] : memref<1x128xf32, #tpu.memory_space<vmem>>, vector<1x128xf32>
      tpu.vector_store %arg16[%swap3A_292, %swap3A_293], %broadcast_in_dim3A_291 {strides = array<i32>} : memref<1x128xf32, #tpu.memory_space<vmem>>, vector<1x128xf32>,
      %broadcast_in_dim3A_295 = arith.constant 0.000000e+00 : f32
      %broadcast_in_dim3A_296 = vector.broadcast %broadcast_in_dim3A_295 : f32 to vector<1x128xf32>
      %swap3A_297 = arith.constant 0 : index
      %swap3A_298 = arith.constant 0 : index
      %swap3A_299 = vector.load %arg17[%swap3A_297, %swap3A_298] : memref<1x128xf32, #tpu.memory_space<vmem>>, vector<1x128xf32>
      tpu.vector_store %arg17[%swap3A_297, %swap3A_298], %broadcast_in_dim3A_296 {strides = array<i32>} : memref<1x128xf32, #tpu.memory_space<vmem>>, vector<1x128xf32>,
    } else {
    }
    %get3A_270 = arith.constant 0 : index
    %get3A_271 = arith.constant 0 : index
    %get3A_272 = vector.load %arg16[%get3A_270, %get3A_271] : memref<1x128xf32, #tpu.memory_space<vmem>>, vector<1x128xf32>
    %mul3A_273 = arith.constant 3.05175781E-5 : f32
    %mul3A_274 = vector.broadcast %mul3A_273 : f32 to vector<1x128xf32>
    %mul3A_275 = arith.mulf %broadcast_in_dim3A_181, %mul3A_274 : vector<1x128xf32>
    %add3A_276 = arith.addf %get3A_272, %mul3A_275 : vector<1x128xf32>
    %swap3A_277 = arith.constant 0 : index
    %swap3A_278 = arith.constant 0 : index
    %swap3A_279 = vector.load %arg16[%swap3A_277, %swap3A_278] : memref<1x128xf32, #tpu.memory_space<vmem>>, vector<1x128xf32>
    tpu.vector_store %arg16[%swap3A_277, %swap3A_278], %add3A_276 {strides = array<i32>} : memref<1x128xf32, #tpu.memory_space<vmem>>, vector<1x128xf32>,
    %get3A_280 = arith.constant 0 : index
    %get3A_281 = arith.constant 0 : index
    %get3A_282 = vector.load %arg17[%get3A_280, %get3A_281] : memref<1x128xf32, #tpu.memory_space<vmem>>, vector<1x128xf32>
    %mul3A_283 = arith.constant 3.05175781E-5 : f32
    %mul3A_284 = vector.broadcast %mul3A_283 : f32 to vector<1x128xf32>
    %mul3A_285 = arith.mulf %broadcast_in_dim3A_257, %mul3A_284 : vector<1x128xf32>
    %add3A_286 = arith.addf %get3A_282, %mul3A_285 : vector<1x128xf32>
    %swap3A_287 = arith.constant 0 : index
    %swap3A_288 = arith.constant 0 : index
    %swap3A_289 = vector.load %arg17[%swap3A_287, %swap3A_288] : memref<1x128xf32, #tpu.memory_space<vmem>>, vector<1x128xf32>
    tpu.vector_store %arg17[%swap3A_287, %swap3A_288], %add3A_286 {strides = array<i32>} : memref<1x128xf32, #tpu.memory_space<vmem>>, vector<1x128xf32>,
    return
  }
  func.func @transform_0(%arg0: i32) -> (i32, i32) {
    %c0_i32 = arith.constant 0 : i32
    %c0_i32_0 = arith.constant 0 : i32
    return %arg0, %c0_i32 : i32, i32
  }
  func.func @transform_1(%arg0: i32) -> (i32, i32) {
    %c0_i32 = arith.constant 0 : i32
    %c0_i32_0 = arith.constant 0 : i32
    return %arg0, %c0_i32 : i32, i32
  }
  func.func @transform_2(%arg0: i32) -> (i32, i32) {
    %c0_i32 = arith.constant 0 : i32
    %c0_i32_0 = arith.constant 0 : i32
    %c0_i32_1 = arith.constant 0 : i32
    return %c0_i32, %c0_i32_0 : i32, i32
  }
  func.func @transform_3(%arg0: i32) -> (i32, i32) {
    %c0_i32 = arith.constant 0 : i32
    %c0_i32_0 = arith.constant 0 : i32
    %c0_i32_1 = arith.constant 0 : i32
    return %c0_i32, %c0_i32_0 : i32, i32
  }
  func.func @transform_4(%arg0: i32) -> (i32, i32) {
    %c0_i32 = arith.constant 0 : i32
    %c0_i32_0 = arith.constant 0 : i32
    %c0_i32_1 = arith.constant 0 : i32
    return %c0_i32, %c0_i32_0 : i32, i32
  }
  func.func @transform_5(%arg0: i32) -> (i32, i32) {
    %c0_i32 = arith.constant 0 : i32
    %c0_i32_0 = arith.constant 0 : i32
    %c0_i32_1 = arith.constant 0 : i32
    return %c0_i32, %c0_i32_0 : i32, i32
  }
  func.func @transform_6(%arg0: i32) -> (i32, i32) {
    %c0_i32 = arith.constant 0 : i32
    %c0_i32_0 = arith.constant 0 : i32
    %c0_i32_1 = arith.constant 0 : i32
    return %c0_i32, %c0_i32_0 : i32, i32
  }
  func.func @transform_7(%arg0: i32) -> (i32, i32) {
    %c0_i32 = arith.constant 0 : i32
    %c0_i32_0 = arith.constant 0 : i32
    %c0_i32_1 = arith.constant 0 : i32
    return %c0_i32, %c0_i32_0 : i32, i32
  }
  func.func @transform_8(%arg0: i32) -> (i32, i32) {
    %c0_i32 = arith.constant 0 : i32
    %c0_i32_0 = arith.constant 0 : i32
    %c0_i32_1 = arith.constant 0 : i32
    return %c0_i32, %c0_i32_0 : i32, i32
  }
  func.func @transform_9(%arg0: i32) -> (i32, i32) {
    %c0_i32 = arith.constant 0 : i32
    %c0_i32_0 = arith.constant 0 : i32
    %c0_i32_1 = arith.constant 0 : i32
    return %c0_i32, %c0_i32_0 : i32, i32
  }
  func.func @transform_10(%arg0: i32) -> (i32, i32) {
    %c0_i32 = arith.constant 0 : i32
    %c0_i32_0 = arith.constant 0 : i32
    %c0_i32_1 = arith.constant 0 : i32
    return %c0_i32, %c0_i32_0 : i32, i32
  }
  func.func @transform_11(%arg0: i32) -> i32 {
    %c0_i32 = arith.constant 0 : i32
    return %arg0 : i32
  }
  func.func @transform_12(%arg0: i32) -> i32 {
    %c0_i32 = arith.constant 0 : i32
    return %arg0 : i32
  }
  func.func @transform_13(%arg0: i32) -> i32 {
    %c0_i32 = arith.constant 0 : i32
    return %arg0 : i32
  }
  func.func @transform_14(%arg0: i32) -> i32 {
    %c0_i32 = arith.constant 0 : i32
    return %arg0 : i32
  }
  func.func @transform_15(%arg0: i32) -> (i32, i32) {
    %c0_i32 = arith.constant 0 : i32
    %c0_i32_0 = arith.constant 0 : i32
    %c0_i32_1 = arith.constant 0 : i32
    return %c0_i32, %c0_i32_0 : i32, i32
  }
  func.func @transform_16(%arg0: i32) -> (i32, i32) {
    %c0_i32 = arith.constant 0 : i32
    %c0_i32_0 = arith.constant 0 : i32
    %c0_i32_1 = arith.constant 0 : i32
    return %c0_i32, %c0_i32_0 : i32, i32
  }
}

</mosaic_0001>

<sc_bundles>
// kernel: kernel.10.cloned.1.call-start
scs
__scs_entry_jumppad:
0x0: {  	(pc) =	sbr.rel $0x88, $3  }
0x1: {  	(tag) =	ssettag $0x0;
	lr =	simm.s32 $0x1  }
0x2: {  	[smem:$0x3F8D] =	sst lr;
	_ =	strace $0xD0000000  }
0x3: {  	_ = 	snop  }
0x4: {  	_ = 	snop  }
0x5: {  	_ = 	snop  }
0x6: {  	_ = 	snop  }
0x7: {  	_ = 	snop  }
__scs_overlays_trampoline_lowered:
0x8: {  	[smem:$0x3F9C] =	sst s0  }
0x9: {  	[smem:$0x3F9D] =	sst s1  }
0xa: {  	[smem:$0x3F9E] =	sst s2  }
0xb: {  	[smem:$0x3F9F] =	sst s3  }
0xc: {  	[smem:$0x3FA0] =	sst s4  }
0xd: {  	[smem:$0x3FA1] =	sst s5  }
0xe: {  	[smem:$0x3FA2] =	sst s6  }
0xf: {  	[smem:$0x3FA3] =	sst s7  }
0x10: {  	[smem:$0x3FA4] =	sst s8  }
0x11: {  	[smem:$0x3FA5] =	sst s9;
	s0 =	simm.s32 @!p0 $0x0  }
0x12: {  	s1 =	sld [smem:$0x3F8B];
	s0 =	simm.s32 @p0 $0x1  }
0x13: {  	[smem:$0x3FA6] =	sst s0;
	s0 =	simm.s32 @!p1 $0x0  }
0x14: {  	s2 =	sld [smem:$0x3F8A];
	s0 =	simm.s32 @p1 $0x1  }
0x15: {  	[smem:$0x3FA7] =	sst s0;
	s0 =	simm.s32 @!p2 $0x0  }
0x16: {  	s3 =	sld [smem:$0x3FDB];
	s0 =	simm.s32 @p2 $0x1  }
0x17: {  	s4 =	simm.s32 $0x1BF5;
	[smem:$0x3FA9] =	sst s0  }
0x18: {  	s0 =	sld [smem:$0x3F8C];
	_ =	swait.ge [sflag:s4], $0x0  }
0x19: {  	s7 =	sld [smem:$0x3F8D]  }
0x1a: {  	s8 =	sadd.s32 $0xFFFFE003, lr  }
0x1b: {  	s9 =	sadd.s32 $0xFFFFFEF7, lr;
	s5 =	simm.s32 $0xFFFFFFFF;
	p2 =	slt.u32 s8, $0xFFFFF086  }
0x1c: {  	p1 =	slt.u32 s9, $0xF7A;
	s5 =	simm.s32 @!p2 $0x0  }
0x1d: {  	s5 =	simm.s32 @p1 $0x1;
	p0 =	seq.s32 s7, s2  }
0x1e: {  	s7 =	smul.u32 @!p0 $0xF7A, s2;
	p2 =	seq.s32 @!p0 s5, $0x0  }
0x1f: {  	s9 =	smul.u32 $0xF7A, s1;
	s8 =	simm.s32 @!p0 $0x1BF5;
	p2 =	por !p2, p0  }
0x20: {  	[sflag:s8] =	ssyncset.s32 @!p0 $0xFFFFF086;
	s6 =	sadd.s32 @!p0 s3, s7;
	s7 =	simm.s32 @!p0 $0x108  }
0x21: {  	s3 =	sadd.s32 s3, s9;
	s6 =	sadd.s32 @!p0 $0x88, s6;
	s7 =	simm.s32 @p2 $0x1082  }
0x22: {  	[simem:s7], [sflag:s8] =	dma.local @!p0 [hbm:s6], $0xF7A  }
0x23: {  	s9 =	sor.u32 $0xD0000000, s2;
	s6 =	simm.s32 $0x108;
	_ =	swait.ge @!p0 [sflag:s8], $0x0  }
0x24: {  	s3 =	sadd.s32 $0x88, s3;
	s6 =	simm.s32 @!p1 $0x1082;
	[sflag:s4] =	ssyncset.s32 $0xFFFFF086  }
0x25: {  	[simem:s6], [sflag:s4] =	dma.local [hbm:s3], $0xF7A  }
0x26: {  	[smem:$0x3F8D] =	sst s1;
	(tag) =	ssettag s2;
	_ =	strace s9  }
0x27: {  	s1 =	sld [smem:$0x3F9D]  }
0x28: {  	s2 =	sld [smem:$0x3F9E]  }
0x29: {  	s4 =	sld [smem:$0x3FA0]  }
0x2a: {  	p0 =	seq.s32 s5, $0x0;
	s5 =	sld [smem:$0x3FA1]  }
0x2b: {  	s6 =	sld [smem:$0x3FA2]  }
0x2c: {  	s7 =	sld [smem:$0x3FA3]  }
0x2d: {  	s3 =	simm.s32 $0x108;
	s8 =	sld [smem:$0x3FA4]  }
0x2e: {  	s3 =	simm.s32 @!p0 $0x1082;
	s9 =	sld [smem:$0x3FA5]  }
0x2f: {  	lr =	sadd.s32 s0, s3;
	s0 =	sld [smem:$0x3F9C]  }
0x30: {  	s3 =	sld [smem:$0x3F9F]  }
0x31: {  	[smem:$0x3FA8] =	sst s10  }
0x32: {  	s10 =	sld [smem:$0x3FA6];
	_ =	sdelay $0x3  }
0x33: {  	p0 =	seq.s32 s10, $0x1;
	s10 =	sld [smem:$0x3FA8];
	_ =	sdelay $0x3  }
0x34: {  	[smem:$0x3FA8] =	sst s10  }
0x35: {  	s10 =	sld [smem:$0x3FA7];
	_ =	sdelay $0x3  }
0x36: {  	p1 =	seq.s32 s10, $0x1;
	s10 =	sld [smem:$0x3FA8];
	_ =	sdelay $0x3  }
0x37: {  	[smem:$0x3FA8] =	sst s10  }
0x38: {  	s10 =	sld [smem:$0x3FA9]  }
0x39: {  	_ = 	snop;
	(pc) =	sbr.ind lr, $3  }
0x3a: {  	_ = 	snop  }
0x3b: {  	_ = 	snop  }
0x3c: {  	p2 =	seq.s32 s10, $0x1;
	s10 =	sld [smem:$0x3FA8]  }
0x3d: {  	_ =	shalt  }
0x3e: {  	_ =	shalt  }
0x3f: {  	_ =	shalt  }
0x40: {  	_ =	shalt  }
0x41: {  	_ =	shalt  }
0x42: {  	_ =	shalt  }
0x43: {  	_ =	shalt  }
0x44: {  	_ =	shalt  }
0x45: {  	_ =	shalt  }
0x46: {  	_ =	shalt  }
0x47: {  	_ =	shalt  }
0x48: {  	_ =	shalt  }
0x49: {  	_ =	shalt  }
0x4a: {  	_ =	shalt  }
0x4b: {  	_ =	shalt  }
0x4c: {  	_ =	shalt  }
0x4d: {  	_ =	shalt  }
0x4e: {  	_ =	shalt  }
0x4f: {  	_ =	shalt  }
0x50: {  	_ =	shalt  }
0x51: {  	_ =	shalt  }
0x52: {  	_ =	shalt  }
0x53: {  	_ =	shalt  }
0x54: {  	_ =	shalt  }
0x55: {  	_ =	shalt  }
0x56: {  	_ =	shalt  }
0x57: {  	_ =	shalt  }
0x58: {  	_ =	shalt  }
0x59: {  	_ =	shalt  }
0x5a: {  	_ =	shalt  }
0x5b: {  	_ =	shalt  }
0x5c: {  	_ =	shalt  }
0x5d: {  	_ =	shalt  }
0x5e: {  	_ =	shalt  }
0x5f: {  	_ =	shalt  }
0x60: {  	_ =	shalt  }
0x61: {  	_ =	shalt  }
0x62: {  	_ =	shalt  }
0x63: {  	_ =	shalt  }
0x64: {  	_ =	shalt  }
0x65: {  	_ =	shalt  }
0x66: {  	_ =	shalt  }
0x67: {  	_ =	shalt  }
0x68: {  	_ =	shalt  }
0x69: {  	_ =	shalt  }
0x6a: {  	_ =	shalt  }
0x6b: {  	_ =	shalt  }
0x6c: {  	_ =	shalt  }
0x6d: {  	_ =	shalt  }
0x6e: {  	_ =	shalt  }
0x6f: {  	_ =	shalt  }
0x70: {  	_ =	shalt  }
0x71: {  	_ =	shalt  }
0x72: {  	_ =	shalt  }
0x73: {  	_ =	shalt  }
0x74: {  	_ =	shalt  }
0x75: {  	_ =	shalt  }
0x76: {  	_ =	shalt  }
0x77: {  	_ =	shalt  }
0x78: {  	_ =	shalt  }
0x79: {  	_ =	shalt  }
0x7a: {  	_ =	shalt  }
0x7b: {  	_ =	shalt  }
0x7c: {  	_ =	shalt  }
0x7d: {  	_ =	shalt  }
0x7e: {  	_ =	shalt  }
0x7f: {  	_ =	shalt  }
0x80: {  	_ =	shalt  }
0x81: {  	_ =	shalt  }
0x82: {  	_ =	shalt  }
0x83: {  	_ =	shalt  }
0x84: {  	_ =	shalt  }
0x85: {  	_ =	shalt  }
0x86: {  	_ =	shalt  }
0x87: {  	_ =	shalt  }
.Lfunc_end0:
.L_simem_size_0:
called_computation_lowered:
.L_overlay_start_0:
0x88: {  	s2 =	sld [smem:$0x3FD9]  }
0x89: {  	s3 =	sld [smem:$0x3FFE];
	_ =	sdelay $0x1  }
0x8a: {  	s1 =	srdreg.scid  }
0x8b: {  	s0 =	sand.u32 $0x1, s1  }
0x8c: {  	s15 =	sshll.u32 s0, $0xA;
	s2 =	sadd.s32 s3, s2  }
0x8d: {  	s2 =	sadd.s32 s2, s15  }
0x8e: {  	[smem:$0x3FB4] =	sst s2  }
0x8f: {  	_ = 	snop  }
0x90: {  	s2 =	sld [smem:$0x3FD0];
	_ =	sdelay $0x2  }
0x91: {  	s16 =	simm.s32 $0xD;
	s4 =	simm.s32 $0x10  }
0x92: {  	[smem:s4], [sflag:s16] =	dma.local [hbm:s2], $0x1  }
0x93: {  	_ =	swait.eq [sflag:s16], $0x1  }
0x94: {  	[sflag:s16] =	ssyncset.done $0x0  }
0x95: {  	[sflag:s16] =	ssyncadd.s32 $0xFFFFFFFF  }
0x96: {  	s17 =	sld [smem:$0x11];
	(tm) =	ssettm $0x1  }
0x97: {  	s18 =	sld [smem:$0x3FFB];
	_ =	sdelay $0x3  }
0x98: {  	_ =	strace s18  }
0x99: {  	s2 =	sld [smem:$0x3FFC];
	_ =	sdelay $0x3  }
0x9a: {  	_ =	strace s2  }
0x9b: {  	s2 =	sld [smem:$0x3FFD];
	_ =	sdelay $0x3  }
0x9c: {  	_ =	strace s2  }
0x9d: {  	_ =	strace $0x8FFFFFFF  }
0x9e: {  	s19 =	sld [smem:$0x3FDB];
	_ =	sdelay $0x1  }
0x9f: {  	s20 =	simm.s32 $_scs_section_size  }
0xa0: {  	s5 =	simm.s32 $_size__tile_overlayer_lowered;
	s6 =	simm.s32 $_tile_overlayer_lowered  }
0xa1: {  	s7 =	simm.s32 $0x1BFF;
	s21 =	sshll.u32 s6, $0x1;
	s4 =	sadd.s32 s20, s19  }
0xa2: {  	s22 =	simm.s32 $0x0;
	s5 =	sshll.u32 s5, $0x1;
	s6 =	sadd.s32 s21, s4  }
0xa3: {  	[timem:s22], [sflag:s7] =	dma.local [hbm:s6], s5  }
0xa4: {  	_ =	swait.ge [sflag:s7], s5  }
0xa5: {  	s5 =	ssub.s32 $0x0, s5;
	[sflag:s7] =	ssyncset.done $0x0  }
0xa6: {  	[sflag:s7] =	ssyncadd.s32 s5;
	_ =	sdelay $0x1  }
0xa7: {  	s23 =	simm.s32 $0x1B8B  }
0xa8: {  	_ =	swait.ge [sflag:s23], $0x1  }
0xa9: {  	[sflag:s23] =	ssyncset.done $0x0  }
0xaa: {  	[sflag:s23] =	ssyncadd.s32 $0xFFFFFFFF  }
0xab: {  	s5 =	sld [smem:$0x0]  }
0xac: {  	s6 =	sand.u32 $0xFFFFFFFE, s1  }
0xad: {  	p0 =	sne.s32 s1, s6  }
0xae: {  	s6 =	sshll.u32 @p0 s6, $0xE  }
0xaf: {  	s6 =	sadd.s32 @p0 $0x11B8D, s6;
	s7 =	sshll.u32 @p0 s5, $0x11  }
0xb0: {  	s6 =	sor.u32 @p0 s7, s6  }
0xb1: {  	[sflag:s6] =	ssyncadd.remote.s32 @p0 $0x1;
	_ =	sdelay $0x1  }
0xb2: {  	s6 =	simm.s32 @p0 $0x1B8D  }
0xb3: {  	_ =	swait.eq @p0 [sflag:s6], $0x1  }
0xb4: {  	[sflag:s6] =	ssyncadd.s32 @p0 $0xFFFFFFFF  }
0xb5: {  	s7 =	sshll.u32 @!p0 s1, $0xE  }
0xb6: {  	s7 =	sor.u32 @!p0 $0x4000, s7;
	s6 =	simm.s32 @!p0 $0x1B8D  }
0xb7: {  	s5 =	sshll.u32 @!p0 s5, $0x11;
	s7 =	sadd.s32 @!p0 $0x11B8D, s7;
	_ =	swait.eq @!p0 [sflag:s6], $0x1  }
0xb8: {  	s5 =	sor.u32 @!p0 s5, s7;
	[sflag:s6] =	ssyncadd.s32 @!p0 $0xFFFFFFFF  }
0xb9: {  	s25 =	simm.s32 $0x1B8E;
	s24 =	sld [smem:$0x3FFE];
	[sflag:s5] =	ssyncadd.remote.s32 @!p0 $0x1  }
0xba: {  	s26 =	simm.s32 $execute0_lowered;
	[smem:$0x3FD2] =	sst s25  }
0xbb: {  	s6 =	sshll.u32 s26, $0x1;
	_ =	strace $0x8000004F;
	[dreg:$0x1] =	wrdreg $0xFFFFFFFF  }
0xbc: {  	s28 =	simm.s32 $_size_execute0_lowered;
	s4 =	sadd.s32 s4, s6;
	[dreg:$0x0] =	wrdreg $0x0  }
0xbd: {  	s6 =	sshll.u32 s28, $0x1;
	[dreg:$0x2] =	wrdreg s4  }
0xbe: {  	[dreg:$0x3] =	wrdreg s6  }
0xbf: {  	[dreg:$0x4] =	wrdreg $0xC0  }
0xc0: {  	_ =	task [dreg:s22], $0x5FFFF  }
0xc1: {  	[dreg:$0x1] =	wrdreg $0xFFFFFFFF  }
0xc2: {  	[dreg:$0x0] =	wrdreg $0x60  }
0xc3: {  	[dreg:$0x2] =	wrdreg s24  }
0xc4: {  	[dreg:$0x3] =	wrdreg s17  }
0xc5: {  	[dreg:$0x4] =	wrdreg $0x9  }
0xc6: {  	_ =	task.clear_ibuf [dreg:s22], $0x5FFFF;
	_ =	strace $0x9000004F  }
0xc7: {  	s29 =	simm.s32 $0x9;
	_ =	strace $0x80000051  }
0xc8: {  	_ =	swait.ge [sflag:s29], $0x1  }
0xc9: {  	[sflag:s29] =	ssyncadd.s32 $0xFFFFFFFF  }
0xca: {  	_ =	strace $0x90000051  }
0xcb: {  	_ =	sfence  }
0xcc: {  	s30 =	sld [smem:$0x0];
	_ =	sdelay $0x2  }
0xcd: {  	s31 =	sshll.u32 s1, $0xD;
	s1 =	sshrl.u32 s1, $0x2  }
0xce: {  	s4 =	sand.u32 $0x4000, s31;
	s1 =	sadd.s32 s1, s30  }
0xcf: {  	s0 =	sor.u32 s4, s0;
	s1 =	sshll.u32 s1, $0x11  }
0xd0: {  	s0 =	sor.u32 s1, s0  }
0xd1: {  	s0 =	sadd.s32 $0x8F2B, s0  }
0xd2: {  	[sflag:s0] =	ssyncadd.remote.s32 $0x1  }
0xd3: {  	_ =	sfence.sel $0xFFFF  }
0xd4: {  	[dreg:$0x0] =	wrdreg $0xFFFFFFFF;
	(pc) =	sbr.abs _section_cstart, $3  }
0xd5: {  	[dreg:$0x1] =	wrdreg $0xFFFFFFFF  }
0xd6: {  	_ =	task.clear_ibuf [dreg:s22], $0x2FFFF;
	_ =	strace $0x9FFFFFFF  }
0xd7: {  	(tm) =	ssettm $0x7FFFFFFF  }
tec
execute0_lowered:
.L_overlay_start_1:
0x0: {  	(tag) =	ssettag $0x1  }
0x1: {  	s1 =	srdreg.scid  }
0x2: {  	s15 =	rddreg [dreg:$0x0];
	s0 =	stileid.u32;
	s18 =	sand.u32 $0x1, s1  }
0x3: {  	s17 =	rddreg [dreg:$0x1];
	s3 =	sshll.u32 s0, $0x9;
	s4 =	sshll.u32 s18, $0x8  }
0x4: {  	s2 =	simm.s32 $0x0;
	s1 =	rddreg [dreg:$0x2];
	s13 =	sor.u32 s4, s3  }
0x5: {  	[smem:$0x7FF] =	sst s2;
	s14 =	sadd.s32 $0xAAE00, s15;
	s8 =	sshrl.u32 s13, $0x3  }
0x6: {  	_ =	strace $0x80000050;
	s3 =	simm.s32 $0x3;
	s4 =	sadd.s32 s14, s8  }
0x7: {  	[tilespmem:s2], [sflag:$0x3] =	stream.linear.gather [hbm4b:s4+s2], $0x80, $0x38;
	[tilespmem:$0x8100] =	vst v63  }
0x8: {  	_ =	swait.ge [sflag:s3], $0x80  }
0x9: {  	s6 =	simm.s32 $0x80;
	s7 =	simm.s32 $0x100;
	[sflag:s3] =	ssyncset.done $0x0  }
0xa: {  	s5 =	sadd.s32 $0x3600, s15;
	s16 =	sadd.s32 $0xAB200, s15;
	[sflag:s3] =	ssyncadd.s32 $0xFFFFFF80  }
0xb: {  	[tilespmem:s7], [sflag:$0x1] =	stream.indirect.gather [hbm4b:s5+s6], $0x80, s2, s6, $0xb8;
	[tilespmem:$0x8100] =	vst v63  }
0xc: {  	s8 =	sadd.s32 s16, s8  }
0xd: {  	[tilespmem:s6], [sflag:$0x3] =	stream.linear.gather [hbm4b:s8+s2], $0x80, $0x38;
	[tilespmem:$0x8100] =	vst v63  }
0xe: {  	_ =	swait.ge [sflag:s3], $0x80  }
0xf: {  	s10 =	simm.s32 $0x4100;
	[sflag:s3] =	ssyncset.done $0x0  }
0x10: {  	s11 =	simm.s32 $0x1;
	s9 =	sadd.s32 $0x5600, s15;
	[sflag:s3] =	ssyncadd.s32 $0xFFFFFF80  }
0x11: {  	[tilespmem:s10], [sflag:$0x2] =	stream.indirect.gather [hbm4b:s9+s6], $0x80, s6, s6, $0xb8;
	[tilespmem:$0x8100] =	vst v63  }
0x12: {  	_ =	swait.ge [sflag:s11], $0x4000  }
0x13: {  	s19 =	sshll.u32 s13, $0x4;
	[sflag:s11] =	ssyncset.done $0x0  }
0x14: {  	s12 =	sadd.s32 s17, s19;
	[sflag:s11] =	ssyncadd.s32 $0xFFFFC000  }
0x15: {  	[hbm4b:s12+s2] =	stream.linear.scatter [tilespmem:s7], [sflag:$0x3], $0x4000, $0x38;
	[tilespmem:$0x8100] =	vst v63  }
0x16: {  	s20 =	sor.u32 $0x80, s13;
	_ =	swait.ge [sflag:s3], $0x4000  }
0x17: {  	s21 =	sshrl.u32 s20, $0x3;
	[sflag:s3] =	ssyncset.done $0x0  }
0x18: {  	s13 =	sadd.s32 s14, s21;
	[sflag:s3] =	ssyncadd.s32 $0xFFFFC000  }
0x19: {  	[tilespmem:s2], [sflag:$0x3] =	stream.linear.gather [hbm4b:s13+s2], $0x80, $0x38;
	[tilespmem:$0x8100] =	vst v63  }
0x1a: {  	_ =	swait.ge [sflag:s3], $0x80  }
0x1b: {  	[sflag:s3] =	ssyncset.done $0x0  }
0x1c: {  	s14 =	simm.s32 $0x2;
	[sflag:s3] =	ssyncadd.s32 $0xFFFFFF80  }
0x1d: {  	[tilespmem:s7], [sflag:$0x1] =	stream.indirect.gather [hbm4b:s5+s6], $0x80, s2, s6, $0xb8;
	[tilespmem:$0x8100] =	vst v63  }
0x1e: {  	_ =	swait.ge [sflag:s14], $0x4000  }
0x1f: {  	s22 =	sadd.s32 $0xAB600, s15;
	[sflag:s14] =	ssyncset.done $0x0  }
0x20: {  	s15 =	sadd.s32 s22, s19;
	[sflag:s14] =	ssyncadd.s32 $0xFFFFC000  }
0x21: {  	[hbm4b:s15+s2] =	stream.linear.scatter [tilespmem:s10], [sflag:$0x3], $0x4000, $0x38;
	[tilespmem:$0x8100] =	vst v63  }
0x22: {  	_ =	swait.ge [sflag:s3], $0x4000  }
0x23: {  	[sflag:s3] =	ssyncset.done $0x0  }
0x24: {  	s16 =	sadd.s32 s16, s21;
	[sflag:s3] =	ssyncadd.s32 $0xFFFFC000  }
0x25: {  	[tilespmem:s6], [sflag:$0x3] =	stream.linear.gather [hbm4b:s16+s2], $0x80, $0x38;
	[tilespmem:$0x8100] =	vst v63  }
0x26: {  	_ =	swait.ge [sflag:s3], $0x80  }
0x27: {  	[sflag:s3] =	ssyncset.done $0x0  }
0x28: {  	[sflag:s3] =	ssyncadd.s32 $0xFFFFFF80  }
0x29: {  	[tilespmem:s10], [sflag:$0x2] =	stream.indirect.gather [hbm4b:s9+s6], $0x80, s6, s6, $0xb8;
	[tilespmem:$0x8100] =	vst v63  }
0x2a: {  	_ =	swait.ge [sflag:s11], $0x4000  }
0x2b: {  	s29 =	sshll.u32 s20, $0x4;
	[sflag:s11] =	ssyncset.done $0x0  }
0x2c: {  	s18 =	ssub.s32 $0x2, s18;
	s17 =	sadd.s32 s17, s29;
	[sflag:s11] =	ssyncadd.s32 $0xFFFFC000  }
0x2d: {  	[hbm4b:s17+s2] =	stream.linear.scatter [tilespmem:s7], [sflag:$0x3], $0x4000, $0x38;
	[tilespmem:$0x8100] =	vst v63  }
0x2e: {  	s30 =	sshrl.u32 s18, $0x1;
	_ =	swait.ge [sflag:s3], $0x4000  }
0x2f: {  	s20 =	ssub.s32 s18, s30;
	[sflag:s3] =	ssyncset.done $0x0  }
0x30: {  	s31 =	smax.u32 s20, $0x1;
	[sflag:s3] =	ssyncadd.s32 $0xFFFFC000  }
0x31: {  	p0 =	sne.s32 s31, $0x1;
	_ =	swait.ge [sflag:s14], $0x4000  }
.Ltmp0:
0x32: {  	[sflag:s14] =	ssyncset.done $0x0;
	(pc) =	sbr.rel @!p0 .LBB2_2-.Ltmp0, $4  }
0x33: {  	s18 =	sadd.s32 s22, s29;
	[sflag:s14] =	ssyncadd.s32 $0xFFFFC000  }
0x34: {  	[hbm4b:s18+s2] =	stream.linear.scatter [tilespmem:s10], [sflag:$0x3], $0x4000, $0x38;
	[tilespmem:$0x8100] =	vst v63  }
0x35: {  	_ =	swait.ge [sflag:s3], $0x4000  }
0x36: {  	s19 =	sadd.s32 $0xFFFFFFFF, s31;
	[sflag:s3] =	ssyncset.done $0x0  }
.LBB2_1:
0x37: {  	p0 =	sne.s32 s19, $0x1;
	s19 =	sadd.s32 $0xFFFFFFFF, s19;
	[sflag:s3] =	ssyncadd.s32 $0xFFFFC000  }
0x38: {  	[tilespmem:s2], [sflag:$0x3] =	stream.linear.gather [hbm4b:s4+s2], $0x80, $0x38;
	[tilespmem:$0x8100] =	vst v63  }
0x39: {  	_ =	swait.ge [sflag:s3], $0x80  }
0x3a: {  	[sflag:s3] =	ssyncset.done $0x0  }
0x3b: {  	[sflag:s3] =	ssyncadd.s32 $0xFFFFFF80  }
0x3c: {  	[tilespmem:s7], [sflag:$0x1] =	stream.indirect.gather [hbm4b:s5+s6], $0x80, s2, s6, $0xb8;
	[tilespmem:$0x8100] =	vst v63  }
0x3d: {  	_ = 	snop  }
0x3e: {  	[tilespmem:s6], [sflag:$0x3] =	stream.linear.gather [hbm4b:s8+s2], $0x80, $0x38;
	[tilespmem:$0x8100] =	vst v63  }
0x3f: {  	_ =	swait.ge [sflag:s3], $0x80  }
0x40: {  	[sflag:s3] =	ssyncset.done $0x0  }
0x41: {  	[sflag:s3] =	ssyncadd.s32 $0xFFFFFF80  }
0x42: {  	[tilespmem:s10], [sflag:$0x2] =	stream.indirect.gather [hbm4b:s9+s6], $0x80, s6, s6, $0xb8;
	[tilespmem:$0x8100] =	vst v63  }
0x43: {  	_ =	swait.ge [sflag:s11], $0x4000  }
0x44: {  	[sflag:s11] =	ssyncset.done $0x0  }
0x45: {  	[sflag:s11] =	ssyncadd.s32 $0xFFFFC000  }
0x46: {  	[hbm4b:s12+s2] =	stream.linear.scatter [tilespmem:s7], [sflag:$0x3], $0x4000, $0x38;
	[tilespmem:$0x8100] =	vst v63  }
0x47: {  	_ =	swait.ge [sflag:s3], $0x4000  }
0x48: {  	[sflag:s3] =	ssyncset.done $0x0  }
0x49: {  	[sflag:s3] =	ssyncadd.s32 $0xFFFFC000  }
0x4a: {  	[tilespmem:s2], [sflag:$0x3] =	stream.linear.gather [hbm4b:s13+s2], $0x80, $0x38;
	[tilespmem:$0x8100] =	vst v63  }
0x4b: {  	_ =	swait.ge [sflag:s3], $0x80  }
0x4c: {  	[sflag:s3] =	ssyncset.done $0x0  }
0x4d: {  	[sflag:s3] =	ssyncadd.s32 $0xFFFFFF80  }
0x4e: {  	[tilespmem:s7], [sflag:$0x1] =	stream.indirect.gather [hbm4b:s5+s6], $0x80, s2, s6, $0xb8;
	[tilespmem:$0x8100] =	vst v63  }
0x4f: {  	_ =	swait.ge [sflag:s14], $0x4000  }
0x50: {  	[sflag:s14] =	ssyncset.done $0x0  }
0x51: {  	[sflag:s14] =	ssyncadd.s32 $0xFFFFC000  }
0x52: {  	[hbm4b:s15+s2] =	stream.linear.scatter [tilespmem:s10], [sflag:$0x3], $0x4000, $0x38;
	[tilespmem:$0x8100] =	vst v63  }
0x53: {  	_ =	swait.ge [sflag:s3], $0x4000  }
0x54: {  	[sflag:s3] =	ssyncset.done $0x0  }
0x55: {  	[sflag:s3] =	ssyncadd.s32 $0xFFFFC000  }
0x56: {  	[tilespmem:s6], [sflag:$0x3] =	stream.linear.gather [hbm4b:s16+s2], $0x80, $0x38;
	[tilespmem:$0x8100] =	vst v63  }
0x57: {  	_ =	swait.ge [sflag:s3], $0x80  }
0x58: {  	[sflag:s3] =	ssyncset.done $0x0  }
0x59: {  	[sflag:s3] =	ssyncadd.s32 $0xFFFFFF80  }
0x5a: {  	[tilespmem:s10], [sflag:$0x2] =	stream.indirect.gather [hbm4b:s9+s6], $0x80, s6, s6, $0xb8;
	[tilespmem:$0x8100] =	vst v63  }
0x5b: {  	_ =	swait.ge [sflag:s11], $0x4000  }
0x5c: {  	[sflag:s11] =	ssyncset.done $0x0  }
0x5d: {  	[sflag:s11] =	ssyncadd.s32 $0xFFFFC000  }
0x5e: {  	[hbm4b:s17+s2] =	stream.linear.scatter [tilespmem:s7], [sflag:$0x3], $0x4000, $0x38;
	[tilespmem:$0x8100] =	vst v63  }
0x5f: {  	_ =	swait.ge [sflag:s3], $0x4000  }
0x60: {  	[sflag:s3] =	ssyncset.done $0x0  }
0x61: {  	[sflag:s3] =	ssyncadd.s32 $0xFFFFC000  }
0x62: {  	_ =	swait.ge [sflag:s14], $0x4000  }
.Ltmp1:
0x63: {  	[sflag:s14] =	ssyncset.done $0x0;
	(pc) =	sbr.rel @p0 .LBB2_1-.Ltmp1, $4  }
0x64: {  	[sflag:s14] =	ssyncadd.s32 $0xFFFFC000  }
0x65: {  	[hbm4b:s18+s2] =	stream.linear.scatter [tilespmem:s10], [sflag:$0x3], $0x4000, $0x38;
	[tilespmem:$0x8100] =	vst v63  }
0x66: {  	_ =	swait.ge [sflag:s3], $0x4000  }
0x67: {  	[sflag:s3] =	ssyncset.done $0x0  }
.LBB2_2:
0x68: {  	[sflag:s3] =	ssyncadd.s32 $0xFFFFC000  }
0x69: {  	_ =	sfence.sel $0x180000  }
0x6a: {  	[bflag:$0x0] =	sbarrier.arrive $0xFFFF  }
0x6b: {  	p0 =	sne.s32 s0, $0x0;
	_ =	strace $0x90000050  }
0x6c: {  	s0 =	sadd.s32 @!p0 $0x100000, s1;
	[bflag:$0x2] =	sbarrier.arrive $0xFFFF  }
0x6d: {  	[sflag:s0] =	ssyncadd.tile.s32 @!p0 $0x1;
	_ =	shalt  }
.Lfunc_end2:
_tile_overlayer_lowered:
.L_overlay_start_2:
0x6e: {  	(tag) =	ssettag $0x2  }
0x6f: {  	s0 =	rddreg [dreg:$0x0];
	s2 =	stileid.u32  }
0x70: {  	s1 =	rddreg [dreg:$0x1];
	p0 =	sne.s32 s2, $0x0  }
0x71: {  	s3 =	rddreg [dreg:$0x2];
	[bflag:$0x3] =	sbarrier.arrive $0xFFFF;
	s2 =	simm.s32 @!p0 $0x1C03  }
0x72: {  	[timem:s3], [sflag:s2] =	dma.local @!p0 [hbm:s0], s1  }
0x73: {  	s0 =	simm.s32 @!p0 $0x3  }
0x74: {  	_ =	swait.ge @!p0 [sflag:s0], s1  }
0x75: {  	s1 =	ssub.s32 @!p0 $0x0, s1;
	[sflag:s0] =	ssyncset.done @!p0 $0x0  }
0x76: {  	[sflag:s0] =	ssyncadd.s32 @!p0 s1  }
0x77: {  	[bflag:$0x3] =	sbarrier.arrive $0xFFFF  }
0x78: {  	_ =	shalt  }

// kernel: kernel.13.cloned.1.call-start
scs
__scs_entry_jumppad:
0x0: {  	(pc) =	sbr.rel $0x88, $3  }
0x1: {  	(tag) =	ssettag $0x0;
	lr =	simm.s32 $0x1  }
0x2: {  	[smem:$0x3F8D] =	sst lr;
	_ =	strace $0xD0000000  }
0x3: {  	_ = 	snop  }
0x4: {  	_ = 	snop  }
0x5: {  	_ = 	snop  }
0x6: {  	_ = 	snop  }
0x7: {  	_ = 	snop  }
__scs_overlays_trampoline_lowered:
0x8: {  	[smem:$0x3F9C] =	sst s0  }
0x9: {  	[smem:$0x3F9D] =	sst s1  }
0xa: {  	[smem:$0x3F9E] =	sst s2  }
0xb: {  	[smem:$0x3F9F] =	sst s3  }
0xc: {  	[smem:$0x3FA0] =	sst s4  }
0xd: {  	[smem:$0x3FA1] =	sst s5  }
0xe: {  	[smem:$0x3FA2] =	sst s6  }
0xf: {  	[smem:$0x3FA3] =	sst s7  }
0x10: {  	[smem:$0x3FA4] =	sst s8  }
0x11: {  	[smem:$0x3FA5] =	sst s9;
	s0 =	simm.s32 @!p0 $0x0  }
0x12: {  	s1 =	sld [smem:$0x3F8B];
	s0 =	simm.s32 @p0 $0x1  }
0x13: {  	[smem:$0x3FA6] =	sst s0;
	s0 =	simm.s32 @!p1 $0x0  }
0x14: {  	s2 =	sld [smem:$0x3F8A];
	s0 =	simm.s32 @p1 $0x1  }
0x15: {  	[smem:$0x3FA7] =	sst s0;
	s0 =	simm.s32 @!p2 $0x0  }
0x16: {  	s3 =	sld [smem:$0x3FDB];
	s0 =	simm.s32 @p2 $0x1  }
0x17: {  	s4 =	simm.s32 $0x1BF5;
	[smem:$0x3FA9] =	sst s0  }
0x18: {  	s0 =	sld [smem:$0x3F8C];
	_ =	swait.ge [sflag:s4], $0x0  }
0x19: {  	s7 =	sld [smem:$0x3F8D]  }
0x1a: {  	s8 =	sadd.s32 $0xFFFFE003, lr  }
0x1b: {  	s9 =	sadd.s32 $0xFFFFFEF7, lr;
	s5 =	simm.s32 $0xFFFFFFFF;
	p2 =	slt.u32 s8, $0xFFFFF086  }
0x1c: {  	p1 =	slt.u32 s9, $0xF7A;
	s5 =	simm.s32 @!p2 $0x0  }
0x1d: {  	s5 =	simm.s32 @p1 $0x1;
	p0 =	seq.s32 s7, s2  }
0x1e: {  	s7 =	smul.u32 @!p0 $0xF7A, s2;
	p2 =	seq.s32 @!p0 s5, $0x0  }
0x1f: {  	s9 =	smul.u32 $0xF7A, s1;
	s8 =	simm.s32 @!p0 $0x1BF5;
	p2 =	por !p2, p0  }
0x20: {  	[sflag:s8] =	ssyncset.s32 @!p0 $0xFFFFF086;
	s6 =	sadd.s32 @!p0 s3, s7;
	s7 =	simm.s32 @!p0 $0x108  }
0x21: {  	s3 =	sadd.s32 s3, s9;
	s6 =	sadd.s32 @!p0 $0x88, s6;
	s7 =	simm.s32 @p2 $0x1082  }
0x22: {  	[simem:s7], [sflag:s8] =	dma.local @!p0 [hbm:s6], $0xF7A  }
0x23: {  	s9 =	sor.u32 $0xD0000000, s2;
	s6 =	simm.s32 $0x108;
	_ =	swait.ge @!p0 [sflag:s8], $0x0  }
0x24: {  	s3 =	sadd.s32 $0x88, s3;
	s6 =	simm.s32 @!p1 $0x1082;
	[sflag:s4] =	ssyncset.s32 $0xFFFFF086  }
0x25: {  	[simem:s6], [sflag:s4] =	dma.local [hbm:s3], $0xF7A  }
0x26: {  	[smem:$0x3F8D] =	sst s1;
	(tag) =	ssettag s2;
	_ =	strace s9  }
0x27: {  	s1 =	sld [smem:$0x3F9D]  }
0x28: {  	s2 =	sld [smem:$0x3F9E]  }
0x29: {  	s4 =	sld [smem:$0x3FA0]  }
0x2a: {  	p0 =	seq.s32 s5, $0x0;
	s5 =	sld [smem:$0x3FA1]  }
0x2b: {  	s6 =	sld [smem:$0x3FA2]  }
0x2c: {  	s7 =	sld [smem:$0x3FA3]  }
0x2d: {  	s3 =	simm.s32 $0x108;
	s8 =	sld [smem:$0x3FA4]  }
0x2e: {  	s3 =	simm.s32 @!p0 $0x1082;
	s9 =	sld [smem:$0x3FA5]  }
0x2f: {  	lr =	sadd.s32 s0, s3;
	s0 =	sld [smem:$0x3F9C]  }
0x30: {  	s3 =	sld [smem:$0x3F9F]  }
0x31: {  	[smem:$0x3FA8] =	sst s10  }
0x32: {  	s10 =	sld [smem:$0x3FA6];
	_ =	sdelay $0x3  }
0x33: {  	p0 =	seq.s32 s10, $0x1;
	s10 =	sld [smem:$0x3FA8];
	_ =	sdelay $0x3  }
0x34: {  	[smem:$0x3FA8] =	sst s10  }
0x35: {  	s10 =	sld [smem:$0x3FA7];
	_ =	sdelay $0x3  }
0x36: {  	p1 =	seq.s32 s10, $0x1;
	s10 =	sld [smem:$0x3FA8];
	_ =	sdelay $0x3  }
0x37: {  	[smem:$0x3FA8] =	sst s10  }
0x38: {  	s10 =	sld [smem:$0x3FA9]  }
0x39: {  	_ = 	snop;
	(pc) =	sbr.ind lr, $3  }
0x3a: {  	_ = 	snop  }
0x3b: {  	_ = 	snop  }
0x3c: {  	p2 =	seq.s32 s10, $0x1;
	s10 =	sld [smem:$0x3FA8]  }
0x3d: {  	_ =	shalt  }
0x3e: {  	_ =	shalt  }
0x3f: {  	_ =	shalt  }
0x40: {  	_ =	shalt  }
0x41: {  	_ =	shalt  }
0x42: {  	_ =	shalt  }
0x43: {  	_ =	shalt  }
0x44: {  	_ =	shalt  }
0x45: {  	_ =	shalt  }
0x46: {  	_ =	shalt  }
0x47: {  	_ =	shalt  }
0x48: {  	_ =	shalt  }
0x49: {  	_ =	shalt  }
0x4a: {  	_ =	shalt  }
0x4b: {  	_ =	shalt  }
0x4c: {  	_ =	shalt  }
0x4d: {  	_ =	shalt  }
0x4e: {  	_ =	shalt  }
0x4f: {  	_ =	shalt  }
0x50: {  	_ =	shalt  }
0x51: {  	_ =	shalt  }
0x52: {  	_ =	shalt  }
0x53: {  	_ =	shalt  }
0x54: {  	_ =	shalt  }
0x55: {  	_ =	shalt  }
0x56: {  	_ =	shalt  }
0x57: {  	_ =	shalt  }
0x58: {  	_ =	shalt  }
0x59: {  	_ =	shalt  }
0x5a: {  	_ =	shalt  }
0x5b: {  	_ =	shalt  }
0x5c: {  	_ =	shalt  }
0x5d: {  	_ =	shalt  }
0x5e: {  	_ =	shalt  }
0x5f: {  	_ =	shalt  }
0x60: {  	_ =	shalt  }
0x61: {  	_ =	shalt  }
0x62: {  	_ =	shalt  }
0x63: {  	_ =	shalt  }
0x64: {  	_ =	shalt  }
0x65: {  	_ =	shalt  }
0x66: {  	_ =	shalt  }
0x67: {  	_ =	shalt  }
0x68: {  	_ =	shalt  }
0x69: {  	_ =	shalt  }
0x6a: {  	_ =	shalt  }
0x6b: {  	_ =	shalt  }
0x6c: {  	_ =	shalt  }
0x6d: {  	_ =	shalt  }
0x6e: {  	_ =	shalt  }
0x6f: {  	_ =	shalt  }
0x70: {  	_ =	shalt  }
0x71: {  	_ =	shalt  }
0x72: {  	_ =	shalt  }
0x73: {  	_ =	shalt  }
0x74: {  	_ =	shalt  }
0x75: {  	_ =	shalt  }
0x76: {  	_ =	shalt  }
0x77: {  	_ =	shalt  }
0x78: {  	_ =	shalt  }
0x79: {  	_ =	shalt  }
0x7a: {  	_ =	shalt  }
0x7b: {  	_ =	shalt  }
0x7c: {  	_ =	shalt  }
0x7d: {  	_ =	shalt  }
0x7e: {  	_ =	shalt  }
0x7f: {  	_ =	shalt  }
0x80: {  	_ =	shalt  }
0x81: {  	_ =	shalt  }
0x82: {  	_ =	shalt  }
0x83: {  	_ =	shalt  }
0x84: {  	_ =	shalt  }
0x85: {  	_ =	shalt  }
0x86: {  	_ =	shalt  }
0x87: {  	_ =	shalt  }
.Lfunc_end0:
.L_simem_size_0:
called_computation.1_lowered:
.L_overlay_start_0:
0x88: {  	s2 =	sld [smem:$0x3FD9]  }
0x89: {  	s3 =	sld [smem:$0x3FFE];
	_ =	sdelay $0x1  }
0x8a: {  	s1 =	srdreg.scid  }
0x8b: {  	s0 =	sand.u32 $0x1, s1  }
0x8c: {  	s17 =	sshll.u32 s0, $0xA;
	s2 =	sadd.s32 s3, s2  }
0x8d: {  	s2 =	sadd.s32 s2, s17  }
0x8e: {  	[smem:$0x3FB4] =	sst s2  }
0x8f: {  	_ = 	snop  }
0x90: {  	(tm) =	ssettm $0x1  }
0x91: {  	s18 =	sld [smem:$0x3FFB];
	_ =	sdelay $0x3  }
0x92: {  	_ =	strace s18  }
0x93: {  	s2 =	sld [smem:$0x3FFC];
	_ =	sdelay $0x3  }
0x94: {  	_ =	strace s2  }
0x95: {  	s2 =	sld [smem:$0x3FFD];
	_ =	sdelay $0x3  }
0x96: {  	_ =	strace s2  }
0x97: {  	_ =	strace $0x8FFFFFFF  }
0x98: {  	s19 =	sld [smem:$0x3FDB];
	_ =	sdelay $0x1  }
0x99: {  	s20 =	simm.s32 $_scs_section_size  }
0x9a: {  	s4 =	simm.s32 $_size__tile_overlayer_lowered;
	s5 =	simm.s32 $_tile_overlayer_lowered  }
0x9b: {  	s6 =	simm.s32 $0x1BFF;
	s21 =	sshll.u32 s5, $0x1;
	s3 =	sadd.s32 s20, s19  }
0x9c: {  	s22 =	simm.s32 $0x0;
	s4 =	sshll.u32 s4, $0x1;
	s5 =	sadd.s32 s21, s3  }
0x9d: {  	[timem:s22], [sflag:s6] =	dma.local [hbm:s5], s4  }
0x9e: {  	_ =	swait.ge [sflag:s6], s4  }
0x9f: {  	s4 =	ssub.s32 $0x0, s4;
	[sflag:s6] =	ssyncset.done $0x0  }
0xa0: {  	[sflag:s6] =	ssyncadd.s32 s4;
	_ =	sdelay $0x1  }
0xa1: {  	s23 =	simm.s32 $0x1B8B  }
0xa2: {  	_ =	swait.ge [sflag:s23], $0x1  }
0xa3: {  	[sflag:s23] =	ssyncset.done $0x0  }
0xa4: {  	[sflag:s23] =	ssyncadd.s32 $0xFFFFFFFF  }
0xa5: {  	s4 =	sld [smem:$0x0]  }
0xa6: {  	s5 =	sand.u32 $0xFFFFFFFE, s1  }
0xa7: {  	p0 =	sne.s32 s1, s5  }
0xa8: {  	s5 =	sshll.u32 @p0 s5, $0xE  }
0xa9: {  	s5 =	sadd.s32 @p0 $0x11B8D, s5;
	s6 =	sshll.u32 @p0 s4, $0x11  }
0xaa: {  	s5 =	sor.u32 @p0 s6, s5  }
0xab: {  	[sflag:s5] =	ssyncadd.remote.s32 @p0 $0x1;
	_ =	sdelay $0x1  }
0xac: {  	s5 =	simm.s32 @p0 $0x1B8D  }
0xad: {  	_ =	swait.eq @p0 [sflag:s5], $0x1  }
0xae: {  	[sflag:s5] =	ssyncadd.s32 @p0 $0xFFFFFFFF  }
0xaf: {  	s6 =	sshll.u32 @!p0 s1, $0xE  }
0xb0: {  	s6 =	sor.u32 @!p0 $0x4000, s6;
	s5 =	simm.s32 @!p0 $0x1B8D  }
0xb1: {  	s4 =	sshll.u32 @!p0 s4, $0x11;
	s6 =	sadd.s32 @!p0 $0x11B8D, s6;
	_ =	swait.eq @!p0 [sflag:s5], $0x1  }
0xb2: {  	s4 =	sor.u32 @!p0 s4, s6;
	[sflag:s5] =	ssyncadd.s32 @!p0 $0xFFFFFFFF  }
0xb3: {  	s25 =	simm.s32 $0x1B8E;
	s24 =	sld [smem:$0x3FFE];
	[sflag:s4] =	ssyncadd.remote.s32 @!p0 $0x1  }
0xb4: {  	s26 =	simm.s32 $execute0_lowered;
	[smem:$0x3FD2] =	sst s25  }
0xb5: {  	s5 =	sshll.u32 s26, $0x1;
	_ =	strace $0x80000049;
	[dreg:$0x1] =	wrdreg $0xFFFFFFFF  }
0xb6: {  	s28 =	simm.s32 $_size_execute0_lowered;
	s3 =	sadd.s32 s3, s5;
	[dreg:$0x0] =	wrdreg $0x0  }
0xb7: {  	s5 =	sshll.u32 s28, $0x1;
	[dreg:$0x2] =	wrdreg s3  }
0xb8: {  	[dreg:$0x3] =	wrdreg s5  }
0xb9: {  	[dreg:$0x4] =	wrdreg $0xC0  }
0xba: {  	_ =	task [dreg:s22], $0x5FFFF  }
0xbb: {  	[dreg:$0x1] =	wrdreg $0xFFFFFFFF  }
0xbc: {  	[dreg:$0x0] =	wrdreg $0x60  }
0xbd: {  	[dreg:$0x2] =	wrdreg s24  }
0xbe: {  	[dreg:$0x3] =	wrdreg $0xA  }
0xbf: {  	_ =	task.clear_ibuf [dreg:s22], $0x4FFFF;
	_ =	strace $0x90000049  }
0xc0: {  	s29 =	simm.s32 $0xA;
	_ =	strace $0x8000004B  }
0xc1: {  	_ =	swait.ge [sflag:s29], $0x1  }
0xc2: {  	[sflag:s29] =	ssyncadd.s32 $0xFFFFFFFF  }
0xc3: {  	_ =	strace $0x9000004B  }
0xc4: {  	_ =	sfence  }
0xc5: {  	s30 =	sld [smem:$0x0];
	_ =	sdelay $0x2  }
0xc6: {  	s31 =	sshll.u32 s1, $0xD;
	s1 =	sshrl.u32 s1, $0x2  }
0xc7: {  	s4 =	sand.u32 $0x4000, s31;
	s1 =	sadd.s32 s1, s30  }
0xc8: {  	s0 =	sor.u32 s4, s0;
	s1 =	sshll.u32 s1, $0x11  }
0xc9: {  	s0 =	sor.u32 s1, s0  }
0xca: {  	s0 =	sadd.s32 $0x8F2B, s0  }
0xcb: {  	[sflag:s0] =	ssyncadd.remote.s32 $0x1  }
0xcc: {  	_ =	sfence.sel $0xFFFF  }
0xcd: {  	[dreg:$0x0] =	wrdreg $0xFFFFFFFF;
	(pc) =	sbr.abs _section_cstart, $3  }
0xce: {  	[dreg:$0x1] =	wrdreg $0xFFFFFFFF  }
0xcf: {  	_ =	task.clear_ibuf [dreg:s22], $0x2FFFF;
	_ =	strace $0x9FFFFFFF  }
0xd0: {  	(tm) =	ssettm $0x7FFFFFFF  }
0xd1: {  	_ =	shalt  }
tec
execute0_lowered:
.L_overlay_start_1:
0x0: {  	(tag) =	ssettag $0x1  }
0x1: {  	s1 =	srdreg.scid  }
0x2: {  	s0 =	stileid.u32;
	s18 =	sand.u32 $0x1, s1  }
0x3: {  	s15 =	rddreg [dreg:$0x0];
	s3 =	sshll.u32 s0, $0x9;
	s4 =	sshll.u32 s18, $0x8  }
0x4: {  	s2 =	simm.s32 $0x0;
	s1 =	rddreg [dreg:$0x1];
	s13 =	sor.u32 s4, s3  }
0x5: {  	[smem:$0x7FF] =	sst s2;
	s14 =	sadd.s32 $0x49E00, s15;
	s8 =	sshrl.u32 s13, $0x3  }
0x6: {  	_ =	strace $0x8000004A;
	s3 =	simm.s32 $0x3;
	s4 =	sadd.s32 s14, s8  }
0x7: {  	[tilespmem:s2], [sflag:$0x3] =	stream.linear.gather [hbm4b:s4+s2], $0x80, $0x38;
	[tilespmem:$0x8100] =	vst v63  }
0x8: {  	_ =	swait.ge [sflag:s3], $0x80  }
0x9: {  	s6 =	simm.s32 $0x80;
	s7 =	simm.s32 $0x100;
	[sflag:s3] =	ssyncset.done $0x0  }
0xa: {  	s5 =	sadd.s32 $0x3600, s15;
	s16 =	sadd.s32 $0x4A200, s15;
	[sflag:s3] =	ssyncadd.s32 $0xFFFFFF80  }
0xb: {  	[tilespmem:s7], [sflag:$0x1] =	stream.indirect.gather [hbm4b:s5+s6], $0x80, s2, s6, $0xb8;
	[tilespmem:$0x8100] =	vst v63  }
0xc: {  	s8 =	sadd.s32 s16, s8  }
0xd: {  	[tilespmem:s6], [sflag:$0x3] =	stream.linear.gather [hbm4b:s8+s2], $0x80, $0x38;
	[tilespmem:$0x8100] =	vst v63  }
0xe: {  	_ =	swait.ge [sflag:s3], $0x80  }
0xf: {  	s10 =	simm.s32 $0x4100;
	[sflag:s3] =	ssyncset.done $0x0  }
0x10: {  	s11 =	simm.s32 $0x1;
	s9 =	sadd.s32 $0x5600, s15;
	[sflag:s3] =	ssyncadd.s32 $0xFFFFFF80  }
0x11: {  	[tilespmem:s10], [sflag:$0x2] =	stream.indirect.gather [hbm4b:s9+s6], $0x80, s6, s6, $0xb8;
	[tilespmem:$0x8100] =	vst v63  }
0x12: {  	_ =	swait.ge [sflag:s11], $0x4000  }
0x13: {  	s17 =	sadd.s32 $0x4A600, s15;
	s19 =	sshll.u32 s13, $0x4;
	[sflag:s11] =	ssyncset.done $0x0  }
0x14: {  	s12 =	sadd.s32 s17, s19;
	[sflag:s11] =	ssyncadd.s32 $0xFFFFC000  }
0x15: {  	[hbm4b:s12+s2] =	stream.linear.scatter [tilespmem:s7], [sflag:$0x3], $0x4000, $0x38;
	[tilespmem:$0x8100] =	vst v63  }
0x16: {  	s20 =	sor.u32 $0x80, s13;
	_ =	swait.ge [sflag:s3], $0x4000  }
0x17: {  	s21 =	sshrl.u32 s20, $0x3;
	[sflag:s3] =	ssyncset.done $0x0  }
0x18: {  	s13 =	sadd.s32 s14, s21;
	[sflag:s3] =	ssyncadd.s32 $0xFFFFC000  }
0x19: {  	[tilespmem:s2], [sflag:$0x3] =	stream.linear.gather [hbm4b:s13+s2], $0x80, $0x38;
	[tilespmem:$0x8100] =	vst v63  }
0x1a: {  	_ =	swait.ge [sflag:s3], $0x80  }
0x1b: {  	[sflag:s3] =	ssyncset.done $0x0  }
0x1c: {  	s14 =	simm.s32 $0x2;
	[sflag:s3] =	ssyncadd.s32 $0xFFFFFF80  }
0x1d: {  	[tilespmem:s7], [sflag:$0x1] =	stream.indirect.gather [hbm4b:s5+s6], $0x80, s2, s6, $0xb8;
	[tilespmem:$0x8100] =	vst v63  }
0x1e: {  	_ =	swait.ge [sflag:s14], $0x4000  }
0x1f: {  	s22 =	sadd.s32 $0x6A600, s15;
	[sflag:s14] =	ssyncset.done $0x0  }
0x20: {  	s15 =	sadd.s32 s22, s19;
	[sflag:s14] =	ssyncadd.s32 $0xFFFFC000  }
0x21: {  	[hbm4b:s15+s2] =	stream.linear.scatter [tilespmem:s10], [sflag:$0x3], $0x4000, $0x38;
	[tilespmem:$0x8100] =	vst v63  }
0x22: {  	_ =	swait.ge [sflag:s3], $0x4000  }
0x23: {  	[sflag:s3] =	ssyncset.done $0x0  }
0x24: {  	s16 =	sadd.s32 s16, s21;
	[sflag:s3] =	ssyncadd.s32 $0xFFFFC000  }
0x25: {  	[tilespmem:s6], [sflag:$0x3] =	stream.linear.gather [hbm4b:s16+s2], $0x80, $0x38;
	[tilespmem:$0x8100] =	vst v63  }
0x26: {  	_ =	swait.ge [sflag:s3], $0x80  }
0x27: {  	[sflag:s3] =	ssyncset.done $0x0  }
0x28: {  	[sflag:s3] =	ssyncadd.s32 $0xFFFFFF80  }
0x29: {  	[tilespmem:s10], [sflag:$0x2] =	stream.indirect.gather [hbm4b:s9+s6], $0x80, s6, s6, $0xb8;
	[tilespmem:$0x8100] =	vst v63  }
0x2a: {  	_ =	swait.ge [sflag:s11], $0x4000  }
0x2b: {  	s29 =	sshll.u32 s20, $0x4;
	[sflag:s11] =	ssyncset.done $0x0  }
0x2c: {  	s18 =	ssub.s32 $0x2, s18;
	s17 =	sadd.s32 s17, s29;
	[sflag:s11] =	ssyncadd.s32 $0xFFFFC000  }
0x2d: {  	[hbm4b:s17+s2] =	stream.linear.scatter [tilespmem:s7], [sflag:$0x3], $0x4000, $0x38;
	[tilespmem:$0x8100] =	vst v63  }
0x2e: {  	s30 =	sshrl.u32 s18, $0x1;
	_ =	swait.ge [sflag:s3], $0x4000  }
0x2f: {  	s20 =	ssub.s32 s18, s30;
	[sflag:s3] =	ssyncset.done $0x0  }
0x30: {  	s31 =	smax.u32 s20, $0x1;
	[sflag:s3] =	ssyncadd.s32 $0xFFFFC000  }
0x31: {  	p0 =	sne.s32 s31, $0x1;
	_ =	swait.ge [sflag:s14], $0x4000  }
.Ltmp0:
0x32: {  	[sflag:s14] =	ssyncset.done $0x0;
	(pc) =	sbr.rel @!p0 .LBB2_2-.Ltmp0, $4  }
0x33: {  	s18 =	sadd.s32 s22, s29;
	[sflag:s14] =	ssyncadd.s32 $0xFFFFC000  }
0x34: {  	[hbm4b:s18+s2] =	stream.linear.scatter [tilespmem:s10], [sflag:$0x3], $0x4000, $0x38;
	[tilespmem:$0x8100] =	vst v63  }
0x35: {  	_ =	swait.ge [sflag:s3], $0x4000  }
0x36: {  	s19 =	sadd.s32 $0xFFFFFFFF, s31;
	[sflag:s3] =	ssyncset.done $0x0  }
.LBB2_1:
0x37: {  	p0 =	sne.s32 s19, $0x1;
	s19 =	sadd.s32 $0xFFFFFFFF, s19;
	[sflag:s3] =	ssyncadd.s32 $0xFFFFC000  }
0x38: {  	[tilespmem:s2], [sflag:$0x3] =	stream.linear.gather [hbm4b:s4+s2], $0x80, $0x38;
	[tilespmem:$0x8100] =	vst v63  }
0x39: {  	_ =	swait.ge [sflag:s3], $0x80  }
0x3a: {  	[sflag:s3] =	ssyncset.done $0x0  }
0x3b: {  	[sflag:s3] =	ssyncadd.s32 $0xFFFFFF80  }
0x3c: {  	[tilespmem:s7], [sflag:$0x1] =	stream.indirect.gather [hbm4b:s5+s6], $0x80, s2, s6, $0xb8;
	[tilespmem:$0x8100] =	vst v63  }
0x3d: {  	_ = 	snop  }
0x3e: {  	[tilespmem:s6], [sflag:$0x3] =	stream.linear.gather [hbm4b:s8+s2], $0x80, $0x38;
	[tilespmem:$0x8100] =	vst v63  }
0x3f: {  	_ =	swait.ge [sflag:s3], $0x80  }
0x40: {  	[sflag:s3] =	ssyncset.done $0x0  }
0x41: {  	[sflag:s3] =	ssyncadd.s32 $0xFFFFFF80  }
0x42: {  	[tilespmem:s10], [sflag:$0x2] =	stream.indirect.gather [hbm4b:s9+s6], $0x80, s6, s6, $0xb8;
	[tilespmem:$0x8100] =	vst v63  }
0x43: {  	_ =	swait.ge [sflag:s11], $0x4000  }
0x44: {  	[sflag:s11] =	ssyncset.done $0x0  }
0x45: {  	[sflag:s11] =	ssyncadd.s32 $0xFFFFC000  }
0x46: {  	[hbm4b:s12+s2] =	stream.linear.scatter [tilespmem:s7], [sflag:$0x3], $0x4000, $0x38;
	[tilespmem:$0x8100] =	vst v63  }
0x47: {  	_ =	swait.ge [sflag:s3], $0x4000  }
0x48: {  	[sflag:s3] =	ssyncset.done $0x0  }
0x49: {  	[sflag:s3] =	ssyncadd.s32 $0xFFFFC000  }
0x4a: {  	[tilespmem:s2], [sflag:$0x3] =	stream.linear.gather [hbm4b:s13+s2], $0x80, $0x38;
	[tilespmem:$0x8100] =	vst v63  }
0x4b: {  	_ =	swait.ge [sflag:s3], $0x80  }
0x4c: {  	[sflag:s3] =	ssyncset.done $0x0  }
0x4d: {  	[sflag:s3] =	ssyncadd.s32 $0xFFFFFF80  }
0x4e: {  	[tilespmem:s7], [sflag:$0x1] =	stream.indirect.gather [hbm4b:s5+s6], $0x80, s2, s6, $0xb8;
	[tilespmem:$0x8100] =	vst v63  }
0x4f: {  	_ =	swait.ge [sflag:s14], $0x4000  }
0x50: {  	[sflag:s14] =	ssyncset.done $0x0  }
0x51: {  	[sflag:s14] =	ssyncadd.s32 $0xFFFFC000  }
0x52: {  	[hbm4b:s15+s2] =	stream.linear.scatter [tilespmem:s10], [sflag:$0x3], $0x4000, $0x38;
	[tilespmem:$0x8100] =	vst v63  }
0x53: {  	_ =	swait.ge [sflag:s3], $0x4000  }
0x54: {  	[sflag:s3] =	ssyncset.done $0x0  }
0x55: {  	[sflag:s3] =	ssyncadd.s32 $0xFFFFC000  }
0x56: {  	[tilespmem:s6], [sflag:$0x3] =	stream.linear.gather [hbm4b:s16+s2], $0x80, $0x38;
	[tilespmem:$0x8100] =	vst v63  }
0x57: {  	_ =	swait.ge [sflag:s3], $0x80  }
0x58: {  	[sflag:s3] =	ssyncset.done $0x0  }
0x59: {  	[sflag:s3] =	ssyncadd.s32 $0xFFFFFF80  }
0x5a: {  	[tilespmem:s10], [sflag:$0x2] =	stream.indirect.gather [hbm4b:s9+s6], $0x80, s6, s6, $0xb8;
	[tilespmem:$0x8100] =	vst v63  }
0x5b: {  	_ =	swait.ge [sflag:s11], $0x4000  }
0x5c: {  	[sflag:s11] =	ssyncset.done $0x0  }
0x5d: {  	[sflag:s11] =	ssyncadd.s32 $0xFFFFC000  }
0x5e: {  	[hbm4b:s17+s2] =	stream.linear.scatter [tilespmem:s7], [sflag:$0x3], $0x4000, $0x38;
	[tilespmem:$0x8100] =	vst v63  }
0x5f: {  	_ =	swait.ge [sflag:s3], $0x4000  }
0x60: {  	[sflag:s3] =	ssyncset.done $0x0  }
0x61: {  	[sflag:s3] =	ssyncadd.s32 $0xFFFFC000  }
0x62: {  	_ =	swait.ge [sflag:s14], $0x4000  }
.Ltmp1:
0x63: {  	[sflag:s14] =	ssyncset.done $0x0;
	(pc) =	sbr.rel @p0 .LBB2_1-.Ltmp1, $4  }
0x64: {  	[sflag:s14] =	ssyncadd.s32 $0xFFFFC000  }
0x65: {  	[hbm4b:s18+s2] =	stream.linear.scatter [tilespmem:s10], [sflag:$0x3], $0x4000, $0x38;
	[tilespmem:$0x8100] =	vst v63  }
0x66: {  	_ =	swait.ge [sflag:s3], $0x4000  }
0x67: {  	[sflag:s3] =	ssyncset.done $0x0  }
.LBB2_2:
0x68: {  	[sflag:s3] =	ssyncadd.s32 $0xFFFFC000  }
0x69: {  	_ =	sfence.sel $0x180000  }
0x6a: {  	[bflag:$0x0] =	sbarrier.arrive $0xFFFF  }
0x6b: {  	p0 =	sne.s32 s0, $0x0;
	_ =	strace $0x9000004A  }
0x6c: {  	s0 =	sadd.s32 @!p0 $0x100000, s1;
	[bflag:$0x2] =	sbarrier.arrive $0xFFFF  }
0x6d: {  	[sflag:s0] =	ssyncadd.tile.s32 @!p0 $0x1;
	_ =	shalt  }
.Lfunc_end2:
_tile_overlayer_lowered:
.L_overlay_start_2:
0x6e: {  	(tag) =	ssettag $0x2  }
0x6f: {  	s0 =	rddreg [dreg:$0x0];
	s2 =	stileid.u32  }
0x70: {  	s1 =	rddreg [dreg:$0x1];
	p0 =	sne.s32 s2, $0x0  }
0x71: {  	s3 =	rddreg [dreg:$0x2];
	[bflag:$0x3] =	sbarrier.arrive $0xFFFF;
	s2 =	simm.s32 @!p0 $0x1C03  }
0x72: {  	[timem:s3], [sflag:s2] =	dma.local @!p0 [hbm:s0], s1  }
0x73: {  	s0 =	simm.s32 @!p0 $0x3  }
0x74: {  	_ =	swait.ge @!p0 [sflag:s0], s1  }
0x75: {  	s1 =	ssub.s32 @!p0 $0x0, s1;
	[sflag:s0] =	ssyncset.done @!p0 $0x0  }
0x76: {  	[sflag:s0] =	ssyncadd.s32 @!p0 s1  }
0x77: {  	[bflag:$0x3] =	sbarrier.arrive $0xFFFF  }
0x78: {  	_ =	shalt  }

// kernel: kernel.16.cloned.1.call-start
scs
__scs_entry_jumppad:
0x0: {  	(pc) =	sbr.rel $0x88, $3  }
0x1: {  	(tag) =	ssettag $0x0;
	lr =	simm.s32 $0x1  }
0x2: {  	[smem:$0x3F8D] =	sst lr;
	_ =	strace $0xD0000000  }
0x3: {  	_ = 	snop  }
0x4: {  	_ = 	snop  }
0x5: {  	_ = 	snop  }
0x6: {  	_ = 	snop  }
0x7: {  	_ = 	snop  }
__scs_overlays_trampoline_lowered:
0x8: {  	[smem:$0x3F9C] =	sst s0  }
0x9: {  	[smem:$0x3F9D] =	sst s1  }
0xa: {  	[smem:$0x3F9E] =	sst s2  }
0xb: {  	[smem:$0x3F9F] =	sst s3  }
0xc: {  	[smem:$0x3FA0] =	sst s4  }
0xd: {  	[smem:$0x3FA1] =	sst s5  }
0xe: {  	[smem:$0x3FA2] =	sst s6  }
0xf: {  	[smem:$0x3FA3] =	sst s7  }
0x10: {  	[smem:$0x3FA4] =	sst s8  }
0x11: {  	[smem:$0x3FA5] =	sst s9;
	s0 =	simm.s32 @!p0 $0x0  }
0x12: {  	s1 =	sld [smem:$0x3F8B];
	s0 =	simm.s32 @p0 $0x1  }
0x13: {  	[smem:$0x3FA6] =	sst s0;
	s0 =	simm.s32 @!p1 $0x0  }
0x14: {  	s2 =	sld [smem:$0x3F8A];
	s0 =	simm.s32 @p1 $0x1  }
0x15: {  	[smem:$0x3FA7] =	sst s0;
	s0 =	simm.s32 @!p2 $0x0  }
0x16: {  	s3 =	sld [smem:$0x3FDB];
	s0 =	simm.s32 @p2 $0x1  }
0x17: {  	s4 =	simm.s32 $0x1BF5;
	[smem:$0x3FA9] =	sst s0  }
0x18: {  	s0 =	sld [smem:$0x3F8C];
	_ =	swait.ge [sflag:s4], $0x0  }
0x19: {  	s7 =	sld [smem:$0x3F8D]  }
0x1a: {  	s8 =	sadd.s32 $0xFFFFE003, lr  }
0x1b: {  	s9 =	sadd.s32 $0xFFFFFEF7, lr;
	s5 =	simm.s32 $0xFFFFFFFF;
	p2 =	slt.u32 s8, $0xFFFFF086  }
0x1c: {  	p1 =	slt.u32 s9, $0xF7A;
	s5 =	simm.s32 @!p2 $0x0  }
0x1d: {  	s5 =	simm.s32 @p1 $0x1;
	p0 =	seq.s32 s7, s2  }
0x1e: {  	s7 =	smul.u32 @!p0 $0xF7A, s2;
	p2 =	seq.s32 @!p0 s5, $0x0  }
0x1f: {  	s9 =	smul.u32 $0xF7A, s1;
	s8 =	simm.s32 @!p0 $0x1BF5;
	p2 =	por !p2, p0  }
0x20: {  	[sflag:s8] =	ssyncset.s32 @!p0 $0xFFFFF086;
	s6 =	sadd.s32 @!p0 s3, s7;
	s7 =	simm.s32 @!p0 $0x108  }
0x21: {  	s3 =	sadd.s32 s3, s9;
	s6 =	sadd.s32 @!p0 $0x88, s6;
	s7 =	simm.s32 @p2 $0x1082  }
0x22: {  	[simem:s7], [sflag:s8] =	dma.local @!p0 [hbm:s6], $0xF7A  }
0x23: {  	s9 =	sor.u32 $0xD0000000, s2;
	s6 =	simm.s32 $0x108;
	_ =	swait.ge @!p0 [sflag:s8], $0x0  }
0x24: {  	s3 =	sadd.s32 $0x88, s3;
	s6 =	simm.s32 @!p1 $0x1082;
	[sflag:s4] =	ssyncset.s32 $0xFFFFF086  }
0x25: {  	[simem:s6], [sflag:s4] =	dma.local [hbm:s3], $0xF7A  }
0x26: {  	[smem:$0x3F8D] =	sst s1;
	(tag) =	ssettag s2;
	_ =	strace s9  }
0x27: {  	s1 =	sld [smem:$0x3F9D]  }
0x28: {  	s2 =	sld [smem:$0x3F9E]  }
0x29: {  	s4 =	sld [smem:$0x3FA0]  }
0x2a: {  	p0 =	seq.s32 s5, $0x0;
	s5 =	sld [smem:$0x3FA1]  }
0x2b: {  	s6 =	sld [smem:$0x3FA2]  }
0x2c: {  	s7 =	sld [smem:$0x3FA3]  }
0x2d: {  	s3 =	simm.s32 $0x108;
	s8 =	sld [smem:$0x3FA4]  }
0x2e: {  	s3 =	simm.s32 @!p0 $0x1082;
	s9 =	sld [smem:$0x3FA5]  }
0x2f: {  	lr =	sadd.s32 s0, s3;
	s0 =	sld [smem:$0x3F9C]  }
0x30: {  	s3 =	sld [smem:$0x3F9F]  }
0x31: {  	[smem:$0x3FA8] =	sst s10  }
0x32: {  	s10 =	sld [smem:$0x3FA6];
	_ =	sdelay $0x3  }
0x33: {  	p0 =	seq.s32 s10, $0x1;
	s10 =	sld [smem:$0x3FA8];
	_ =	sdelay $0x3  }
0x34: {  	[smem:$0x3FA8] =	sst s10  }
0x35: {  	s10 =	sld [smem:$0x3FA7];
	_ =	sdelay $0x3  }
0x36: {  	p1 =	seq.s32 s10, $0x1;
	s10 =	sld [smem:$0x3FA8];
	_ =	sdelay $0x3  }
0x37: {  	[smem:$0x3FA8] =	sst s10  }
0x38: {  	s10 =	sld [smem:$0x3FA9]  }
0x39: {  	_ = 	snop;
	(pc) =	sbr.ind lr, $3  }
0x3a: {  	_ = 	snop  }
0x3b: {  	_ = 	snop  }
0x3c: {  	p2 =	seq.s32 s10, $0x1;
	s10 =	sld [smem:$0x3FA8]  }
0x3d: {  	_ =	shalt  }
0x3e: {  	_ =	shalt  }
0x3f: {  	_ =	shalt  }
0x40: {  	_ =	shalt  }
0x41: {  	_ =	shalt  }
0x42: {  	_ =	shalt  }
0x43: {  	_ =	shalt  }
0x44: {  	_ =	shalt  }
0x45: {  	_ =	shalt  }
0x46: {  	_ =	shalt  }
0x47: {  	_ =	shalt  }
0x48: {  	_ =	shalt  }
0x49: {  	_ =	shalt  }
0x4a: {  	_ =	shalt  }
0x4b: {  	_ =	shalt  }
0x4c: {  	_ =	shalt  }
0x4d: {  	_ =	shalt  }
0x4e: {  	_ =	shalt  }
0x4f: {  	_ =	shalt  }
0x50: {  	_ =	shalt  }
0x51: {  	_ =	shalt  }
0x52: {  	_ =	shalt  }
0x53: {  	_ =	shalt  }
0x54: {  	_ =	shalt  }
0x55: {  	_ =	shalt  }
0x56: {  	_ =	shalt  }
0x57: {  	_ =	shalt  }
0x58: {  	_ =	shalt  }
0x59: {  	_ =	shalt  }
0x5a: {  	_ =	shalt  }
0x5b: {  	_ =	shalt  }
0x5c: {  	_ =	shalt  }
0x5d: {  	_ =	shalt  }
0x5e: {  	_ =	shalt  }
0x5f: {  	_ =	shalt  }
0x60: {  	_ =	shalt  }
0x61: {  	_ =	shalt  }
0x62: {  	_ =	shalt  }
0x63: {  	_ =	shalt  }
0x64: {  	_ =	shalt  }
0x65: {  	_ =	shalt  }
0x66: {  	_ =	shalt  }
0x67: {  	_ =	shalt  }
0x68: {  	_ =	shalt  }
0x69: {  	_ =	shalt  }
0x6a: {  	_ =	shalt  }
0x6b: {  	_ =	shalt  }
0x6c: {  	_ =	shalt  }
0x6d: {  	_ =	shalt  }
0x6e: {  	_ =	shalt  }
0x6f: {  	_ =	shalt  }
0x70: {  	_ =	shalt  }
0x71: {  	_ =	shalt  }
0x72: {  	_ =	shalt  }
0x73: {  	_ =	shalt  }
0x74: {  	_ =	shalt  }
0x75: {  	_ =	shalt  }
0x76: {  	_ =	shalt  }
0x77: {  	_ =	shalt  }
0x78: {  	_ =	shalt  }
0x79: {  	_ =	shalt  }
0x7a: {  	_ =	shalt  }
0x7b: {  	_ =	shalt  }
0x7c: {  	_ =	shalt  }
0x7d: {  	_ =	shalt  }
0x7e: {  	_ =	shalt  }
0x7f: {  	_ =	shalt  }
0x80: {  	_ =	shalt  }
0x81: {  	_ =	shalt  }
0x82: {  	_ =	shalt  }
0x83: {  	_ =	shalt  }
0x84: {  	_ =	shalt  }
0x85: {  	_ =	shalt  }
0x86: {  	_ =	shalt  }
0x87: {  	_ =	shalt  }
.Lfunc_end0:
.L_simem_size_0:
called_computation.2_lowered:
.L_overlay_start_0:
0x88: {  	s2 =	sld [smem:$0x3FD9]  }
0x89: {  	s3 =	sld [smem:$0x3FFE];
	_ =	sdelay $0x1  }
0x8a: {  	s1 =	srdreg.scid  }
0x8b: {  	s0 =	sand.u32 $0x1, s1  }
0x8c: {  	s15 =	sshll.u32 s0, $0xA;
	s2 =	sadd.s32 s3, s2  }
0x8d: {  	s2 =	sadd.s32 s2, s15  }
0x8e: {  	[smem:$0x3FB4] =	sst s2  }
0x8f: {  	_ = 	snop  }
0x90: {  	s2 =	sld [smem:$0x3FD0];
	_ =	sdelay $0x2  }
0x91: {  	s16 =	simm.s32 $0xD;
	s4 =	simm.s32 $0x10  }
0x92: {  	[smem:s4], [sflag:s16] =	dma.local [hbm:s2], $0x1  }
0x93: {  	_ =	swait.eq [sflag:s16], $0x1  }
0x94: {  	[sflag:s16] =	ssyncset.done $0x0  }
0x95: {  	[sflag:s16] =	ssyncadd.s32 $0xFFFFFFFF  }
0x96: {  	s17 =	sld [smem:$0x10];
	(tm) =	ssettm $0x1  }
0x97: {  	s18 =	sld [smem:$0x3FFB];
	_ =	sdelay $0x3  }
0x98: {  	_ =	strace s18  }
0x99: {  	s2 =	sld [smem:$0x3FFC];
	_ =	sdelay $0x3  }
0x9a: {  	_ =	strace s2  }
0x9b: {  	s2 =	sld [smem:$0x3FFD];
	_ =	sdelay $0x3  }
0x9c: {  	_ =	strace s2  }
0x9d: {  	_ =	strace $0x8FFFFFFF  }
0x9e: {  	s19 =	sld [smem:$0x3FDB];
	_ =	sdelay $0x1  }
0x9f: {  	s20 =	simm.s32 $_scs_section_size  }
0xa0: {  	s5 =	simm.s32 $_size__tile_overlayer_lowered;
	s6 =	simm.s32 $_tile_overlayer_lowered  }
0xa1: {  	s7 =	simm.s32 $0x1BFF;
	s21 =	sshll.u32 s6, $0x1;
	s4 =	sadd.s32 s20, s19  }
0xa2: {  	s22 =	simm.s32 $0x0;
	s5 =	sshll.u32 s5, $0x1;
	s6 =	sadd.s32 s21, s4  }
0xa3: {  	[timem:s22], [sflag:s7] =	dma.local [hbm:s6], s5  }
0xa4: {  	_ =	swait.ge [sflag:s7], s5  }
0xa5: {  	s5 =	ssub.s32 $0x0, s5;
	[sflag:s7] =	ssyncset.done $0x0  }
0xa6: {  	[sflag:s7] =	ssyncadd.s32 s5;
	_ =	sdelay $0x1  }
0xa7: {  	s23 =	simm.s32 $0x1B8B  }
0xa8: {  	_ =	swait.ge [sflag:s23], $0x1  }
0xa9: {  	[sflag:s23] =	ssyncset.done $0x0  }
0xaa: {  	[sflag:s23] =	ssyncadd.s32 $0xFFFFFFFF  }
0xab: {  	s5 =	sld [smem:$0x0]  }
0xac: {  	s6 =	sand.u32 $0xFFFFFFFE, s1  }
0xad: {  	p0 =	sne.s32 s1, s6  }
0xae: {  	s6 =	sshll.u32 @p0 s6, $0xE  }
0xaf: {  	s6 =	sadd.s32 @p0 $0x11B8D, s6;
	s7 =	sshll.u32 @p0 s5, $0x11  }
0xb0: {  	s6 =	sor.u32 @p0 s7, s6  }
0xb1: {  	[sflag:s6] =	ssyncadd.remote.s32 @p0 $0x1;
	_ =	sdelay $0x1  }
0xb2: {  	s6 =	simm.s32 @p0 $0x1B8D  }
0xb3: {  	_ =	swait.eq @p0 [sflag:s6], $0x1  }
0xb4: {  	[sflag:s6] =	ssyncadd.s32 @p0 $0xFFFFFFFF  }
0xb5: {  	s7 =	sshll.u32 @!p0 s1, $0xE  }
0xb6: {  	s7 =	sor.u32 @!p0 $0x4000, s7;
	s6 =	simm.s32 @!p0 $0x1B8D  }
0xb7: {  	s5 =	sshll.u32 @!p0 s5, $0x11;
	s7 =	sadd.s32 @!p0 $0x11B8D, s7;
	_ =	swait.eq @!p0 [sflag:s6], $0x1  }
0xb8: {  	s5 =	sor.u32 @!p0 s5, s7;
	[sflag:s6] =	ssyncadd.s32 @!p0 $0xFFFFFFFF  }
0xb9: {  	s25 =	simm.s32 $0x1B8E;
	s24 =	sld [smem:$0x3FFE];
	[sflag:s5] =	ssyncadd.remote.s32 @!p0 $0x1  }
0xba: {  	s26 =	simm.s32 $execute0_lowered;
	[smem:$0x3FD2] =	sst s25  }
0xbb: {  	s6 =	sshll.u32 s26, $0x1;
	_ =	strace $0x8000004C;
	[dreg:$0x1] =	wrdreg $0xFFFFFFFF  }
0xbc: {  	s28 =	simm.s32 $_size_execute0_lowered;
	s4 =	sadd.s32 s4, s6;
	[dreg:$0x0] =	wrdreg $0x0  }
0xbd: {  	s6 =	sshll.u32 s28, $0x1;
	[dreg:$0x2] =	wrdreg s4  }
0xbe: {  	[dreg:$0x3] =	wrdreg s6  }
0xbf: {  	[dreg:$0x4] =	wrdreg $0xC0  }
0xc0: {  	_ =	task [dreg:s22], $0x5FFFF  }
0xc1: {  	[dreg:$0x1] =	wrdreg $0xFFFFFFFF  }
0xc2: {  	[dreg:$0x0] =	wrdreg $0x60  }
0xc3: {  	[dreg:$0x2] =	wrdreg s24  }
0xc4: {  	[dreg:$0x3] =	wrdreg s17  }
0xc5: {  	[dreg:$0x4] =	wrdreg $0xB  }
0xc6: {  	_ =	task.clear_ibuf [dreg:s22], $0x5FFFF;
	_ =	strace $0x9000004C  }
0xc7: {  	s29 =	simm.s32 $0xB;
	_ =	strace $0x8000004E  }
0xc8: {  	_ =	swait.ge [sflag:s29], $0x1  }
0xc9: {  	[sflag:s29] =	ssyncadd.s32 $0xFFFFFFFF  }
0xca: {  	_ =	strace $0x9000004E  }
0xcb: {  	_ =	sfence  }
0xcc: {  	s30 =	sld [smem:$0x0];
	_ =	sdelay $0x2  }
0xcd: {  	s31 =	sshll.u32 s1, $0xD;
	s1 =	sshrl.u32 s1, $0x2  }
0xce: {  	s4 =	sand.u32 $0x4000, s31;
	s1 =	sadd.s32 s1, s30  }
0xcf: {  	s0 =	sor.u32 s4, s0;
	s1 =	sshll.u32 s1, $0x11  }
0xd0: {  	s0 =	sor.u32 s1, s0  }
0xd1: {  	s0 =	sadd.s32 $0x8F2B, s0  }
0xd2: {  	[sflag:s0] =	ssyncadd.remote.s32 $0x1  }
0xd3: {  	_ =	sfence.sel $0xFFFF  }
0xd4: {  	[dreg:$0x0] =	wrdreg $0xFFFFFFFF;
	(pc) =	sbr.abs _section_cstart, $3  }
0xd5: {  	[dreg:$0x1] =	wrdreg $0xFFFFFFFF  }
0xd6: {  	_ =	task.clear_ibuf [dreg:s22], $0x2FFFF;
	_ =	strace $0x9FFFFFFF  }
0xd7: {  	(tm) =	ssettm $0x7FFFFFFF  }
tec
execute0_lowered:
.L_overlay_start_1:
0x0: {  	(tag) =	ssettag $0x1  }
0x1: {  	s1 =	srdreg.scid  }
0x2: {  	s15 =	rddreg [dreg:$0x0];
	s0 =	stileid.u32;
	s18 =	sand.u32 $0x1, s1  }
0x3: {  	s17 =	rddreg [dreg:$0x1];
	s3 =	sshll.u32 s0, $0x9;
	s4 =	sshll.u32 s18, $0x8  }
0x4: {  	s2 =	simm.s32 $0x0;
	s1 =	rddreg [dreg:$0x2];
	s13 =	sor.u32 s4, s3  }
0x5: {  	[smem:$0x7FF] =	sst s2;
	s14 =	sadd.s32 $0x8A600, s15;
	s8 =	sshrl.u32 s13, $0x3  }
0x6: {  	_ =	strace $0x8000004D;
	s3 =	simm.s32 $0x3;
	s4 =	sadd.s32 s14, s8  }
0x7: {  	[tilespmem:s2], [sflag:$0x3] =	stream.linear.gather [hbm4b:s4+s2], $0x80, $0x38;
	[tilespmem:$0x8100] =	vst v63  }
0x8: {  	_ =	swait.ge [sflag:s3], $0x80  }
0x9: {  	s6 =	simm.s32 $0x80;
	s7 =	simm.s32 $0x100;
	[sflag:s3] =	ssyncset.done $0x0  }
0xa: {  	s5 =	sadd.s32 $0x3600, s15;
	s16 =	sadd.s32 $0x8AA00, s15;
	[sflag:s3] =	ssyncadd.s32 $0xFFFFFF80  }
0xb: {  	[tilespmem:s7], [sflag:$0x1] =	stream.indirect.gather [hbm4b:s5+s6], $0x80, s2, s6, $0xb8;
	[tilespmem:$0x8100] =	vst v63  }
0xc: {  	s8 =	sadd.s32 s16, s8  }
0xd: {  	[tilespmem:s6], [sflag:$0x3] =	stream.linear.gather [hbm4b:s8+s2], $0x80, $0x38;
	[tilespmem:$0x8100] =	vst v63  }
0xe: {  	_ =	swait.ge [sflag:s3], $0x80  }
0xf: {  	s10 =	simm.s32 $0x4100;
	[sflag:s3] =	ssyncset.done $0x0  }
0x10: {  	s11 =	simm.s32 $0x1;
	s9 =	sadd.s32 $0x5600, s15;
	[sflag:s3] =	ssyncadd.s32 $0xFFFFFF80  }
0x11: {  	[tilespmem:s10], [sflag:$0x2] =	stream.indirect.gather [hbm4b:s9+s6], $0x80, s6, s6, $0xb8;
	[tilespmem:$0x8100] =	vst v63  }
0x12: {  	_ =	swait.ge [sflag:s11], $0x4000  }
0x13: {  	s19 =	sshll.u32 s13, $0x4;
	[sflag:s11] =	ssyncset.done $0x0  }
0x14: {  	s12 =	sadd.s32 s17, s19;
	[sflag:s11] =	ssyncadd.s32 $0xFFFFC000  }
0x15: {  	[hbm4b:s12+s2] =	stream.linear.scatter [tilespmem:s7], [sflag:$0x3], $0x4000, $0x38;
	[tilespmem:$0x8100] =	vst v63  }
0x16: {  	s20 =	sor.u32 $0x80, s13;
	_ =	swait.ge [sflag:s3], $0x4000  }
0x17: {  	s21 =	sshrl.u32 s20, $0x3;
	[sflag:s3] =	ssyncset.done $0x0  }
0x18: {  	s13 =	sadd.s32 s14, s21;
	[sflag:s3] =	ssyncadd.s32 $0xFFFFC000  }
0x19: {  	[tilespmem:s2], [sflag:$0x3] =	stream.linear.gather [hbm4b:s13+s2], $0x80, $0x38;
	[tilespmem:$0x8100] =	vst v63  }
0x1a: {  	_ =	swait.ge [sflag:s3], $0x80  }
0x1b: {  	[sflag:s3] =	ssyncset.done $0x0  }
0x1c: {  	s14 =	simm.s32 $0x2;
	[sflag:s3] =	ssyncadd.s32 $0xFFFFFF80  }
0x1d: {  	[tilespmem:s7], [sflag:$0x1] =	stream.indirect.gather [hbm4b:s5+s6], $0x80, s2, s6, $0xb8;
	[tilespmem:$0x8100] =	vst v63  }
0x1e: {  	_ =	swait.ge [sflag:s14], $0x4000  }
0x1f: {  	s22 =	sadd.s32 $0x8AE00, s15;
	[sflag:s14] =	ssyncset.done $0x0  }
0x20: {  	s15 =	sadd.s32 s22, s19;
	[sflag:s14] =	ssyncadd.s32 $0xFFFFC000  }
0x21: {  	[hbm4b:s15+s2] =	stream.linear.scatter [tilespmem:s10], [sflag:$0x3], $0x4000, $0x38;
	[tilespmem:$0x8100] =	vst v63  }
0x22: {  	_ =	swait.ge [sflag:s3], $0x4000  }
0x23: {  	[sflag:s3] =	ssyncset.done $0x0  }
0x24: {  	s16 =	sadd.s32 s16, s21;
	[sflag:s3] =	ssyncadd.s32 $0xFFFFC000  }
0x25: {  	[tilespmem:s6], [sflag:$0x3] =	stream.linear.gather [hbm4b:s16+s2], $0x80, $0x38;
	[tilespmem:$0x8100] =	vst v63  }
0x26: {  	_ =	swait.ge [sflag:s3], $0x80  }
0x27: {  	[sflag:s3] =	ssyncset.done $0x0  }
0x28: {  	[sflag:s3] =	ssyncadd.s32 $0xFFFFFF80  }
0x29: {  	[tilespmem:s10], [sflag:$0x2] =	stream.indirect.gather [hbm4b:s9+s6], $0x80, s6, s6, $0xb8;
	[tilespmem:$0x8100] =	vst v63  }
0x2a: {  	_ =	swait.ge [sflag:s11], $0x4000  }
0x2b: {  	s29 =	sshll.u32 s20, $0x4;
	[sflag:s11] =	ssyncset.done $0x0  }
0x2c: {  	s18 =	ssub.s32 $0x2, s18;
	s17 =	sadd.s32 s17, s29;
	[sflag:s11] =	ssyncadd.s32 $0xFFFFC000  }
0x2d: {  	[hbm4b:s17+s2] =	stream.linear.scatter [tilespmem:s7], [sflag:$0x3], $0x4000, $0x38;
	[tilespmem:$0x8100] =	vst v63  }
0x2e: {  	s30 =	sshrl.u32 s18, $0x1;
	_ =	swait.ge [sflag:s3], $0x4000  }
0x2f: {  	s20 =	ssub.s32 s18, s30;
	[sflag:s3] =	ssyncset.done $0x0  }
0x30: {  	s31 =	smax.u32 s20, $0x1;
	[sflag:s3] =	ssyncadd.s32 $0xFFFFC000  }
0x31: {  	p0 =	sne.s32 s31, $0x1;
	_ =	swait.ge [sflag:s14], $0x4000  }
.Ltmp0:
0x32: {  	[sflag:s14] =	ssyncset.done $0x0;
	(pc) =	sbr.rel @!p0 .LBB2_2-.Ltmp0, $4  }
0x33: {  	s18 =	sadd.s32 s22, s29;
	[sflag:s14] =	ssyncadd.s32 $0xFFFFC000  }
0x34: {  	[hbm4b:s18+s2] =	stream.linear.scatter [tilespmem:s10], [sflag:$0x3], $0x4000, $0x38;
	[tilespmem:$0x8100] =	vst v63  }
0x35: {  	_ =	swait.ge [sflag:s3], $0x4000  }
0x36: {  	s19 =	sadd.s32 $0xFFFFFFFF, s31;
	[sflag:s3] =	ssyncset.done $0x0  }
.LBB2_1:
0x37: {  	p0 =	sne.s32 s19, $0x1;
	s19 =	sadd.s32 $0xFFFFFFFF, s19;
	[sflag:s3] =	ssyncadd.s32 $0xFFFFC000  }
0x38: {  	[tilespmem:s2], [sflag:$0x3] =	stream.linear.gather [hbm4b:s4+s2], $0x80, $0x38;
	[tilespmem:$0x8100] =	vst v63  }
0x39: {  	_ =	swait.ge [sflag:s3], $0x80  }
0x3a: {  	[sflag:s3] =	ssyncset.done $0x0  }
0x3b: {  	[sflag:s3] =	ssyncadd.s32 $0xFFFFFF80  }
0x3c: {  	[tilespmem:s7], [sflag:$0x1] =	stream.indirect.gather [hbm4b:s5+s6], $0x80, s2, s6, $0xb8;
	[tilespmem:$0x8100] =	vst v63  }
0x3d: {  	_ = 	snop  }
0x3e: {  	[tilespmem:s6], [sflag:$0x3] =	stream.linear.gather [hbm4b:s8+s2], $0x80, $0x38;
	[tilespmem:$0x8100] =	vst v63  }
0x3f: {  	_ =	swait.ge [sflag:s3], $0x80  }
0x40: {  	[sflag:s3] =	ssyncset.done $0x0  }
0x41: {  	[sflag:s3] =	ssyncadd.s32 $0xFFFFFF80  }
0x42: {  	[tilespmem:s10], [sflag:$0x2] =	stream.indirect.gather [hbm4b:s9+s6], $0x80, s6, s6, $0xb8;
	[tilespmem:$0x8100] =	vst v63  }
0x43: {  	_ =	swait.ge [sflag:s11], $0x4000  }
0x44: {  	[sflag:s11] =	ssyncset.done $0x0  }
0x45: {  	[sflag:s11] =	ssyncadd.s32 $0xFFFFC000  }
0x46: {  	[hbm4b:s12+s2] =	stream.linear.scatter [tilespmem:s7], [sflag:$0x3], $0x4000, $0x38;
	[tilespmem:$0x8100] =	vst v63  }
0x47: {  	_ =	swait.ge [sflag:s3], $0x4000  }
0x48: {  	[sflag:s3] =	ssyncset.done $0x0  }
0x49: {  	[sflag:s3] =	ssyncadd.s32 $0xFFFFC000  }
0x4a: {  	[tilespmem:s2], [sflag:$0x3] =	stream.linear.gather [hbm4b:s13+s2], $0x80, $0x38;
	[tilespmem:$0x8100] =	vst v63  }
0x4b: {  	_ =	swait.ge [sflag:s3], $0x80  }
0x4c: {  	[sflag:s3] =	ssyncset.done $0x0  }
0x4d: {  	[sflag:s3] =	ssyncadd.s32 $0xFFFFFF80  }
0x4e: {  	[tilespmem:s7], [sflag:$0x1] =	stream.indirect.gather [hbm4b:s5+s6], $0x80, s2, s6, $0xb8;
	[tilespmem:$0x8100] =	vst v63  }
0x4f: {  	_ =	swait.ge [sflag:s14], $0x4000  }
0x50: {  	[sflag:s14] =	ssyncset.done $0x0  }
0x51: {  	[sflag:s14] =	ssyncadd.s32 $0xFFFFC000  }
0x52: {  	[hbm4b:s15+s2] =	stream.linear.scatter [tilespmem:s10], [sflag:$0x3], $0x4000, $0x38;
	[tilespmem:$0x8100] =	vst v63  }
0x53: {  	_ =	swait.ge [sflag:s3], $0x4000  }
0x54: {  	[sflag:s3] =	ssyncset.done $0x0  }
0x55: {  	[sflag:s3] =	ssyncadd.s32 $0xFFFFC000  }
0x56: {  	[tilespmem:s6], [sflag:$0x3] =	stream.linear.gather [hbm4b:s16+s2], $0x80, $0x38;
	[tilespmem:$0x8100] =	vst v63  }
0x57: {  	_ =	swait.ge [sflag:s3], $0x80  }
0x58: {  	[sflag:s3] =	ssyncset.done $0x0  }
0x59: {  	[sflag:s3] =	ssyncadd.s32 $0xFFFFFF80  }
0x5a: {  	[tilespmem:s10], [sflag:$0x2] =	stream.indirect.gather [hbm4b:s9+s6], $0x80, s6, s6, $0xb8;
	[tilespmem:$0x8100] =	vst v63  }
0x5b: {  	_ =	swait.ge [sflag:s11], $0x4000  }
0x5c: {  	[sflag:s11] =	ssyncset.done $0x0  }
0x5d: {  	[sflag:s11] =	ssyncadd.s32 $0xFFFFC000  }
0x5e: {  	[hbm4b:s17+s2] =	stream.linear.scatter [tilespmem:s7], [sflag:$0x3], $0x4000, $0x38;
	[tilespmem:$0x8100] =	vst v63  }
0x5f: {  	_ =	swait.ge [sflag:s3], $0x4000  }
0x60: {  	[sflag:s3] =	ssyncset.done $0x0  }
0x61: {  	[sflag:s3] =	ssyncadd.s32 $0xFFFFC000  }
0x62: {  	_ =	swait.ge [sflag:s14], $0x4000  }
.Ltmp1:
0x63: {  	[sflag:s14] =	ssyncset.done $0x0;
	(pc) =	sbr.rel @p0 .LBB2_1-.Ltmp1, $4  }
0x64: {  	[sflag:s14] =	ssyncadd.s32 $0xFFFFC000  }
0x65: {  	[hbm4b:s18+s2] =	stream.linear.scatter [tilespmem:s10], [sflag:$0x3], $0x4000, $0x38;
	[tilespmem:$0x8100] =	vst v63  }
0x66: {  	_ =	swait.ge [sflag:s3], $0x4000  }
0x67: {  	[sflag:s3] =	ssyncset.done $0x0  }
.LBB2_2:
0x68: {  	[sflag:s3] =	ssyncadd.s32 $0xFFFFC000  }
0x69: {  	_ =	sfence.sel $0x180000  }
0x6a: {  	[bflag:$0x0] =	sbarrier.arrive $0xFFFF  }
0x6b: {  	p0 =	sne.s32 s0, $0x0;
	_ =	strace $0x9000004D  }
0x6c: {  	s0 =	sadd.s32 @!p0 $0x100000, s1;
	[bflag:$0x2] =	sbarrier.arrive $0xFFFF  }
0x6d: {  	[sflag:s0] =	ssyncadd.tile.s32 @!p0 $0x1;
	_ =	shalt  }
.Lfunc_end2:
_tile_overlayer_lowered:
.L_overlay_start_2:
0x6e: {  	(tag) =	ssettag $0x2  }
0x6f: {  	s0 =	rddreg [dreg:$0x0];
	s2 =	stileid.u32  }
0x70: {  	s1 =	rddreg [dreg:$0x1];
	p0 =	sne.s32 s2, $0x0  }
0x71: {  	s3 =	rddreg [dreg:$0x2];
	[bflag:$0x3] =	sbarrier.arrive $0xFFFF;
	s2 =	simm.s32 @!p0 $0x1C03  }
0x72: {  	[timem:s3], [sflag:s2] =	dma.local @!p0 [hbm:s0], s1  }
0x73: {  	s0 =	simm.s32 @!p0 $0x3  }
0x74: {  	_ =	swait.ge @!p0 [sflag:s0], s1  }
0x75: {  	s1 =	ssub.s32 @!p0 $0x0, s1;
	[sflag:s0] =	ssyncset.done @!p0 $0x0  }
0x76: {  	[sflag:s0] =	ssyncadd.s32 @!p0 s1  }
0x77: {  	[bflag:$0x3] =	sbarrier.arrive $0xFFFF  }
0x78: {  	_ =	shalt  }

// kernel: kernel.19.cloned.1.call-start
scs
__scs_entry_jumppad:
0x0: {  	(pc) =	sbr.rel $0x88, $3  }
0x1: {  	(tag) =	ssettag $0x0;
	lr =	simm.s32 $0x1  }
0x2: {  	[smem:$0x3F8D] =	sst lr;
	_ =	strace $0xD0000000  }
0x3: {  	_ = 	snop  }
0x4: {  	_ = 	snop  }
0x5: {  	_ = 	snop  }
0x6: {  	_ = 	snop  }
0x7: {  	_ = 	snop  }
__scs_overlays_trampoline_lowered:
0x8: {  	[smem:$0x3F9C] =	sst s0  }
0x9: {  	[smem:$0x3F9D] =	sst s1  }
0xa: {  	[smem:$0x3F9E] =	sst s2  }
0xb: {  	[smem:$0x3F9F] =	sst s3  }
0xc: {  	[smem:$0x3FA0] =	sst s4  }
0xd: {  	[smem:$0x3FA1] =	sst s5  }
0xe: {  	[smem:$0x3FA2] =	sst s6  }
0xf: {  	[smem:$0x3FA3] =	sst s7  }
0x10: {  	[smem:$0x3FA4] =	sst s8  }
0x11: {  	[smem:$0x3FA5] =	sst s9;
	s0 =	simm.s32 @!p0 $0x0  }
0x12: {  	s1 =	sld [smem:$0x3F8B];
	s0 =	simm.s32 @p0 $0x1  }
0x13: {  	[smem:$0x3FA6] =	sst s0;
	s0 =	simm.s32 @!p1 $0x0  }
0x14: {  	s2 =	sld [smem:$0x3F8A];
	s0 =	simm.s32 @p1 $0x1  }
0x15: {  	[smem:$0x3FA7] =	sst s0;
	s0 =	simm.s32 @!p2 $0x0  }
0x16: {  	s3 =	sld [smem:$0x3FDB];
	s0 =	simm.s32 @p2 $0x1  }
0x17: {  	s4 =	simm.s32 $0x1BF5;
	[smem:$0x3FA9] =	sst s0  }
0x18: {  	s0 =	sld [smem:$0x3F8C];
	_ =	swait.ge [sflag:s4], $0x0  }
0x19: {  	s7 =	sld [smem:$0x3F8D]  }
0x1a: {  	s8 =	sadd.s32 $0xFFFFE003, lr  }
0x1b: {  	s9 =	sadd.s32 $0xFFFFFEF7, lr;
	s5 =	simm.s32 $0xFFFFFFFF;
	p2 =	slt.u32 s8, $0xFFFFF086  }
0x1c: {  	p1 =	slt.u32 s9, $0xF7A;
	s5 =	simm.s32 @!p2 $0x0  }
0x1d: {  	s5 =	simm.s32 @p1 $0x1;
	p0 =	seq.s32 s7, s2  }
0x1e: {  	s7 =	smul.u32 @!p0 $0xF7A, s2;
	p2 =	seq.s32 @!p0 s5, $0x0  }
0x1f: {  	s9 =	smul.u32 $0xF7A, s1;
	s8 =	simm.s32 @!p0 $0x1BF5;
	p2 =	por !p2, p0  }
0x20: {  	[sflag:s8] =	ssyncset.s32 @!p0 $0xFFFFF086;
	s6 =	sadd.s32 @!p0 s3, s7;
	s7 =	simm.s32 @!p0 $0x108  }
0x21: {  	s3 =	sadd.s32 s3, s9;
	s6 =	sadd.s32 @!p0 $0x88, s6;
	s7 =	simm.s32 @p2 $0x1082  }
0x22: {  	[simem:s7], [sflag:s8] =	dma.local @!p0 [hbm:s6], $0xF7A  }
0x23: {  	s9 =	sor.u32 $0xD0000000, s2;
	s6 =	simm.s32 $0x108;
	_ =	swait.ge @!p0 [sflag:s8], $0x0  }
0x24: {  	s3 =	sadd.s32 $0x88, s3;
	s6 =	simm.s32 @!p1 $0x1082;
	[sflag:s4] =	ssyncset.s32 $0xFFFFF086  }
0x25: {  	[simem:s6], [sflag:s4] =	dma.local [hbm:s3], $0xF7A  }
0x26: {  	[smem:$0x3F8D] =	sst s1;
	(tag) =	ssettag s2;
	_ =	strace s9  }
0x27: {  	s1 =	sld [smem:$0x3F9D]  }
0x28: {  	s2 =	sld [smem:$0x3F9E]  }
0x29: {  	s4 =	sld [smem:$0x3FA0]  }
0x2a: {  	p0 =	seq.s32 s5, $0x0;
	s5 =	sld [smem:$0x3FA1]  }
0x2b: {  	s6 =	sld [smem:$0x3FA2]  }
0x2c: {  	s7 =	sld [smem:$0x3FA3]  }
0x2d: {  	s3 =	simm.s32 $0x108;
	s8 =	sld [smem:$0x3FA4]  }
0x2e: {  	s3 =	simm.s32 @!p0 $0x1082;
	s9 =	sld [smem:$0x3FA5]  }
0x2f: {  	lr =	sadd.s32 s0, s3;
	s0 =	sld [smem:$0x3F9C]  }
0x30: {  	s3 =	sld [smem:$0x3F9F]  }
0x31: {  	[smem:$0x3FA8] =	sst s10  }
0x32: {  	s10 =	sld [smem:$0x3FA6];
	_ =	sdelay $0x3  }
0x33: {  	p0 =	seq.s32 s10, $0x1;
	s10 =	sld [smem:$0x3FA8];
	_ =	sdelay $0x3  }
0x34: {  	[smem:$0x3FA8] =	sst s10  }
0x35: {  	s10 =	sld [smem:$0x3FA7];
	_ =	sdelay $0x3  }
0x36: {  	p1 =	seq.s32 s10, $0x1;
	s10 =	sld [smem:$0x3FA8];
	_ =	sdelay $0x3  }
0x37: {  	[smem:$0x3FA8] =	sst s10  }
0x38: {  	s10 =	sld [smem:$0x3FA9]  }
0x39: {  	_ = 	snop;
	(pc) =	sbr.ind lr, $3  }
0x3a: {  	_ = 	snop  }
0x3b: {  	_ = 	snop  }
0x3c: {  	p2 =	seq.s32 s10, $0x1;
	s10 =	sld [smem:$0x3FA8]  }
0x3d: {  	_ =	shalt  }
0x3e: {  	_ =	shalt  }
0x3f: {  	_ =	shalt  }
0x40: {  	_ =	shalt  }
0x41: {  	_ =	shalt  }
0x42: {  	_ =	shalt  }
0x43: {  	_ =	shalt  }
0x44: {  	_ =	shalt  }
0x45: {  	_ =	shalt  }
0x46: {  	_ =	shalt  }
0x47: {  	_ =	shalt  }
0x48: {  	_ =	shalt  }
0x49: {  	_ =	shalt  }
0x4a: {  	_ =	shalt  }
0x4b: {  	_ =	shalt  }
0x4c: {  	_ =	shalt  }
0x4d: {  	_ =	shalt  }
0x4e: {  	_ =	shalt  }
0x4f: {  	_ =	shalt  }
0x50: {  	_ =	shalt  }
0x51: {  	_ =	shalt  }
0x52: {  	_ =	shalt  }
0x53: {  	_ =	shalt  }
0x54: {  	_ =	shalt  }
0x55: {  	_ =	shalt  }
0x56: {  	_ =	shalt  }
0x57: {  	_ =	shalt  }
0x58: {  	_ =	shalt  }
0x59: {  	_ =	shalt  }
0x5a: {  	_ =	shalt  }
0x5b: {  	_ =	shalt  }
0x5c: {  	_ =	shalt  }
0x5d: {  	_ =	shalt  }
0x5e: {  	_ =	shalt  }
0x5f: {  	_ =	shalt  }
0x60: {  	_ =	shalt  }
0x61: {  	_ =	shalt  }
0x62: {  	_ =	shalt  }
0x63: {  	_ =	shalt  }
0x64: {  	_ =	shalt  }
0x65: {  	_ =	shalt  }
0x66: {  	_ =	shalt  }
0x67: {  	_ =	shalt  }
0x68: {  	_ =	shalt  }
0x69: {  	_ =	shalt  }
0x6a: {  	_ =	shalt  }
0x6b: {  	_ =	shalt  }
0x6c: {  	_ =	shalt  }
0x6d: {  	_ =	shalt  }
0x6e: {  	_ =	shalt  }
0x6f: {  	_ =	shalt  }
0x70: {  	_ =	shalt  }
0x71: {  	_ =	shalt  }
0x72: {  	_ =	shalt  }
0x73: {  	_ =	shalt  }
0x74: {  	_ =	shalt  }
0x75: {  	_ =	shalt  }
0x76: {  	_ =	shalt  }
0x77: {  	_ =	shalt  }
0x78: {  	_ =	shalt  }
0x79: {  	_ =	shalt  }
0x7a: {  	_ =	shalt  }
0x7b: {  	_ =	shalt  }
0x7c: {  	_ =	shalt  }
0x7d: {  	_ =	shalt  }
0x7e: {  	_ =	shalt  }
0x7f: {  	_ =	shalt  }
0x80: {  	_ =	shalt  }
0x81: {  	_ =	shalt  }
0x82: {  	_ =	shalt  }
0x83: {  	_ =	shalt  }
0x84: {  	_ =	shalt  }
0x85: {  	_ =	shalt  }
0x86: {  	_ =	shalt  }
0x87: {  	_ =	shalt  }
.Lfunc_end0:
.L_simem_size_0:
called_computation.3_lowered:
.L_overlay_start_0:
0x88: {  	s2 =	sld [smem:$0x3FD9]  }
0x89: {  	s3 =	sld [smem:$0x3FFE];
	_ =	sdelay $0x1  }
0x8a: {  	s1 =	srdreg.scid  }
0x8b: {  	s0 =	sand.u32 $0x1, s1  }
0x8c: {  	s16 =	sshll.u32 s0, $0xA;
	s2 =	sadd.s32 s3, s2  }
0x8d: {  	s2 =	sadd.s32 s2, s16  }
0x8e: {  	[smem:$0x3FB4] =	sst s2  }
0x8f: {  	_ = 	snop  }
0x90: {  	(tm) =	ssettm $0x1  }
0x91: {  	s17 =	sld [smem:$0x3FFB];
	_ =	sdelay $0x3  }
0x92: {  	_ =	strace s17  }
0x93: {  	s2 =	sld [smem:$0x3FFC];
	_ =	sdelay $0x3  }
0x94: {  	_ =	strace s2  }
0x95: {  	s2 =	sld [smem:$0x3FFD];
	_ =	sdelay $0x3  }
0x96: {  	_ =	strace s2  }
0x97: {  	_ =	strace $0x8FFFFFFF  }
0x98: {  	s18 =	sld [smem:$0x3FDB];
	_ =	sdelay $0x1  }
0x99: {  	s19 =	simm.s32 $_scs_section_size  }
0x9a: {  	s4 =	simm.s32 $_size__tile_overlayer_lowered;
	s5 =	simm.s32 $_tile_overlayer_lowered  }
0x9b: {  	s22 =	simm.s32 $0x1BFF;
	s21 =	sshll.u32 s5, $0x1;
	s2 =	sadd.s32 s19, s18  }
0x9c: {  	s6 =	simm.s32 $0x0;
	s20 =	sshll.u32 s4, $0x1;
	s4 =	sadd.s32 s21, s2  }
0x9d: {  	[timem:s6], [sflag:s22] =	dma.local [hbm:s4], s20  }
0x9e: {  	_ =	swait.ge [sflag:s22], s20  }
0x9f: {  	s3 =	ssub.s32 $0x0, s20;
	[sflag:s22] =	ssyncset.done $0x0  }
0xa0: {  	[sflag:s22] =	ssyncadd.s32 s3;
	_ =	sdelay $0x1  }
0xa1: {  	s23 =	simm.s32 $0x1B8B  }
0xa2: {  	_ =	swait.ge [sflag:s23], $0x1  }
0xa3: {  	[sflag:s23] =	ssyncset.done $0x0  }
0xa4: {  	s25 =	simm.s32 $0x1B8E;
	s24 =	sld [smem:$0x3FFE];
	[sflag:s23] =	ssyncadd.s32 $0xFFFFFFFF  }
0xa5: {  	s26 =	simm.s32 $execute0_lowered;
	[smem:$0x3FD2] =	sst s25  }
0xa6: {  	s4 =	sshll.u32 s26, $0x1;
	_ =	strace $0x80000046;
	[dreg:$0x1] =	wrdreg $0xFFFFFFFF  }
0xa7: {  	s28 =	simm.s32 $_size_execute0_lowered;
	s2 =	sadd.s32 s2, s4;
	[dreg:$0x0] =	wrdreg $0x0  }
0xa8: {  	s4 =	sshll.u32 s28, $0x1;
	[dreg:$0x2] =	wrdreg s2  }
0xa9: {  	[dreg:$0x3] =	wrdreg s4  }
0xaa: {  	[dreg:$0x4] =	wrdreg $0xC0  }
0xab: {  	_ =	task [dreg:s6], $0x5FFFF  }
0xac: {  	[dreg:$0x1] =	wrdreg $0xFFFFFFFF  }
0xad: {  	[dreg:$0x0] =	wrdreg $0x60  }
0xae: {  	[dreg:$0x2] =	wrdreg s24  }
0xaf: {  	[dreg:$0x3] =	wrdreg $0xC  }
0xb0: {  	_ =	task.clear_ibuf [dreg:s6], $0x4FFFF;
	_ =	strace $0x90000046  }
0xb1: {  	s29 =	simm.s32 $0xC;
	_ =	strace $0x80000048  }
0xb2: {  	_ =	swait.ge [sflag:s29], $0x1  }
0xb3: {  	[sflag:s29] =	ssyncadd.s32 $0xFFFFFFFF  }
0xb4: {  	_ =	strace $0x90000048  }
0xb5: {  	_ =	sfence  }
0xb6: {  	s30 =	sld [smem:$0x0];
	_ =	sdelay $0x2  }
0xb7: {  	s31 =	sshll.u32 s1, $0xD;
	s1 =	sshrl.u32 s1, $0x2  }
0xb8: {  	s3 =	sand.u32 $0x4000, s31;
	s1 =	sadd.s32 s1, s30  }
0xb9: {  	s0 =	sor.u32 s3, s0;
	s1 =	sshll.u32 s1, $0x11  }
0xba: {  	s0 =	sor.u32 s1, s0  }
0xbb: {  	s0 =	sadd.s32 $0x8F2B, s0  }
0xbc: {  	[sflag:s0] =	ssyncadd.remote.s32 $0x1  }
0xbd: {  	_ =	sfence.sel $0xFFFF  }
0xbe: {  	[dreg:$0x0] =	wrdreg $0xFFFFFFFF;
	(pc) =	sbr.abs _section_cstart, $3  }
0xbf: {  	[dreg:$0x1] =	wrdreg $0xFFFFFFFF  }
0xc0: {  	_ =	task.clear_ibuf [dreg:s6], $0x2FFFF;
	_ =	strace $0x9FFFFFFF  }
0xc1: {  	(tm) =	ssettm $0x7FFFFFFF  }
tec
execute0_lowered:
.L_overlay_start_1:
0x0: {  	(tag) =	ssettag $0x1  }
0x1: {  	s1 =	srdreg.scid  }
0x2: {  	s0 =	stileid.u32;
	s18 =	sand.u32 $0x1, s1  }
0x3: {  	s15 =	rddreg [dreg:$0x0];
	s3 =	sshll.u32 s0, $0x9;
	s4 =	sshll.u32 s18, $0x8  }
0x4: {  	s2 =	simm.s32 $0x0;
	s1 =	rddreg [dreg:$0x1];
	s13 =	sor.u32 s4, s3  }
0x5: {  	[smem:$0x7FF] =	sst s2;
	s14 =	sadd.s32 $0x9600, s15;
	s8 =	sshrl.u32 s13, $0x3  }
0x6: {  	_ =	strace $0x80000047;
	s3 =	simm.s32 $0x3;
	s4 =	sadd.s32 s14, s8  }
0x7: {  	[tilespmem:s2], [sflag:$0x3] =	stream.linear.gather [hbm4b:s4+s2], $0x80, $0x38;
	[tilespmem:$0x8100] =	vst v63  }
0x8: {  	_ =	swait.ge [sflag:s3], $0x80  }
0x9: {  	s6 =	simm.s32 $0x80;
	s7 =	simm.s32 $0x100;
	[sflag:s3] =	ssyncset.done $0x0  }
0xa: {  	s5 =	sadd.s32 $0x3600, s15;
	s16 =	sadd.s32 $0x9A00, s15;
	[sflag:s3] =	ssyncadd.s32 $0xFFFFFF80  }
0xb: {  	[tilespmem:s7], [sflag:$0x1] =	stream.indirect.gather [hbm4b:s5+s6], $0x80, s2, s6, $0xb8;
	[tilespmem:$0x8100] =	vst v63  }
0xc: {  	s8 =	sadd.s32 s16, s8  }
0xd: {  	[tilespmem:s6], [sflag:$0x3] =	stream.linear.gather [hbm4b:s8+s2], $0x80, $0x38;
	[tilespmem:$0x8100] =	vst v63  }
0xe: {  	_ =	swait.ge [sflag:s3], $0x80  }
0xf: {  	s10 =	simm.s32 $0x4100;
	[sflag:s3] =	ssyncset.done $0x0  }
0x10: {  	s11 =	simm.s32 $0x1;
	s9 =	sadd.s32 $0x5600, s15;
	[sflag:s3] =	ssyncadd.s32 $0xFFFFFF80  }
0x11: {  	[tilespmem:s10], [sflag:$0x2] =	stream.indirect.gather [hbm4b:s9+s6], $0x80, s6, s6, $0xb8;
	[tilespmem:$0x8100] =	vst v63  }
0x12: {  	_ =	swait.ge [sflag:s11], $0x4000  }
0x13: {  	s17 =	sadd.s32 $0x9E00, s15;
	s19 =	sshll.u32 s13, $0x4;
	[sflag:s11] =	ssyncset.done $0x0  }
0x14: {  	s12 =	sadd.s32 s17, s19;
	[sflag:s11] =	ssyncadd.s32 $0xFFFFC000  }
0x15: {  	[hbm4b:s12+s2] =	stream.linear.scatter [tilespmem:s7], [sflag:$0x3], $0x4000, $0x38;
	[tilespmem:$0x8100] =	vst v63  }
0x16: {  	s20 =	sor.u32 $0x80, s13;
	_ =	swait.ge [sflag:s3], $0x4000  }
0x17: {  	s21 =	sshrl.u32 s20, $0x3;
	[sflag:s3] =	ssyncset.done $0x0  }
0x18: {  	s13 =	sadd.s32 s14, s21;
	[sflag:s3] =	ssyncadd.s32 $0xFFFFC000  }
0x19: {  	[tilespmem:s2], [sflag:$0x3] =	stream.linear.gather [hbm4b:s13+s2], $0x80, $0x38;
	[tilespmem:$0x8100] =	vst v63  }
0x1a: {  	_ =	swait.ge [sflag:s3], $0x80  }
0x1b: {  	[sflag:s3] =	ssyncset.done $0x0  }
0x1c: {  	s14 =	simm.s32 $0x2;
	[sflag:s3] =	ssyncadd.s32 $0xFFFFFF80  }
0x1d: {  	[tilespmem:s7], [sflag:$0x1] =	stream.indirect.gather [hbm4b:s5+s6], $0x80, s2, s6, $0xb8;
	[tilespmem:$0x8100] =	vst v63  }
0x1e: {  	_ =	swait.ge [sflag:s14], $0x4000  }
0x1f: {  	s22 =	sadd.s32 $0x29E00, s15;
	[sflag:s14] =	ssyncset.done $0x0  }
0x20: {  	s15 =	sadd.s32 s22, s19;
	[sflag:s14] =	ssyncadd.s32 $0xFFFFC000  }
0x21: {  	[hbm4b:s15+s2] =	stream.linear.scatter [tilespmem:s10], [sflag:$0x3], $0x4000, $0x38;
	[tilespmem:$0x8100] =	vst v63  }
0x22: {  	_ =	swait.ge [sflag:s3], $0x4000  }
0x23: {  	[sflag:s3] =	ssyncset.done $0x0  }
0x24: {  	s16 =	sadd.s32 s16, s21;
	[sflag:s3] =	ssyncadd.s32 $0xFFFFC000  }
0x25: {  	[tilespmem:s6], [sflag:$0x3] =	stream.linear.gather [hbm4b:s16+s2], $0x80, $0x38;
	[tilespmem:$0x8100] =	vst v63  }
0x26: {  	_ =	swait.ge [sflag:s3], $0x80  }
0x27: {  	[sflag:s3] =	ssyncset.done $0x0  }
0x28: {  	[sflag:s3] =	ssyncadd.s32 $0xFFFFFF80  }
0x29: {  	[tilespmem:s10], [sflag:$0x2] =	stream.indirect.gather [hbm4b:s9+s6], $0x80, s6, s6, $0xb8;
	[tilespmem:$0x8100] =	vst v63  }
0x2a: {  	_ =	swait.ge [sflag:s11], $0x4000  }
0x2b: {  	s29 =	sshll.u32 s20, $0x4;
	[sflag:s11] =	ssyncset.done $0x0  }
0x2c: {  	s18 =	ssub.s32 $0x2, s18;
	s17 =	sadd.s32 s17, s29;
	[sflag:s11] =	ssyncadd.s32 $0xFFFFC000  }
0x2d: {  	[hbm4b:s17+s2] =	stream.linear.scatter [tilespmem:s7], [sflag:$0x3], $0x4000, $0x38;
	[tilespmem:$0x8100] =	vst v63  }
0x2e: {  	s30 =	sshrl.u32 s18, $0x1;
	_ =	swait.ge [sflag:s3], $0x4000  }
0x2f: {  	s20 =	ssub.s32 s18, s30;
	[sflag:s3] =	ssyncset.done $0x0  }
0x30: {  	s31 =	smax.u32 s20, $0x1;
	[sflag:s3] =	ssyncadd.s32 $0xFFFFC000  }
0x31: {  	p0 =	sne.s32 s31, $0x1;
	_ =	swait.ge [sflag:s14], $0x4000  }
.Ltmp0:
0x32: {  	[sflag:s14] =	ssyncset.done $0x0;
	(pc) =	sbr.rel @!p0 .LBB2_2-.Ltmp0, $4  }
0x33: {  	s18 =	sadd.s32 s22, s29;
	[sflag:s14] =	ssyncadd.s32 $0xFFFFC000  }
0x34: {  	[hbm4b:s18+s2] =	stream.linear.scatter [tilespmem:s10], [sflag:$0x3], $0x4000, $0x38;
	[tilespmem:$0x8100] =	vst v63  }
0x35: {  	_ =	swait.ge [sflag:s3], $0x4000  }
0x36: {  	s19 =	sadd.s32 $0xFFFFFFFF, s31;
	[sflag:s3] =	ssyncset.done $0x0  }
.LBB2_1:
0x37: {  	p0 =	sne.s32 s19, $0x1;
	s19 =	sadd.s32 $0xFFFFFFFF, s19;
	[sflag:s3] =	ssyncadd.s32 $0xFFFFC000  }
0x38: {  	[tilespmem:s2], [sflag:$0x3] =	stream.linear.gather [hbm4b:s4+s2], $0x80, $0x38;
	[tilespmem:$0x8100] =	vst v63  }
0x39: {  	_ =	swait.ge [sflag:s3], $0x80  }
0x3a: {  	[sflag:s3] =	ssyncset.done $0x0  }
0x3b: {  	[sflag:s3] =	ssyncadd.s32 $0xFFFFFF80  }
0x3c: {  	[tilespmem:s7], [sflag:$0x1] =	stream.indirect.gather [hbm4b:s5+s6], $0x80, s2, s6, $0xb8;
	[tilespmem:$0x8100] =	vst v63  }
0x3d: {  	_ = 	snop  }
0x3e: {  	[tilespmem:s6], [sflag:$0x3] =	stream.linear.gather [hbm4b:s8+s2], $0x80, $0x38;
	[tilespmem:$0x8100] =	vst v63  }
0x3f: {  	_ =	swait.ge [sflag:s3], $0x80  }
0x40: {  	[sflag:s3] =	ssyncset.done $0x0  }
0x41: {  	[sflag:s3] =	ssyncadd.s32 $0xFFFFFF80  }
0x42: {  	[tilespmem:s10], [sflag:$0x2] =	stream.indirect.gather [hbm4b:s9+s6], $0x80, s6, s6, $0xb8;
	[tilespmem:$0x8100] =	vst v63  }
0x43: {  	_ =	swait.ge [sflag:s11], $0x4000  }
0x44: {  	[sflag:s11] =	ssyncset.done $0x0  }
0x45: {  	[sflag:s11] =	ssyncadd.s32 $0xFFFFC000  }
0x46: {  	[hbm4b:s12+s2] =	stream.linear.scatter [tilespmem:s7], [sflag:$0x3], $0x4000, $0x38;
	[tilespmem:$0x8100] =	vst v63  }
0x47: {  	_ =	swait.ge [sflag:s3], $0x4000  }
0x48: {  	[sflag:s3] =	ssyncset.done $0x0  }
0x49: {  	[sflag:s3] =	ssyncadd.s32 $0xFFFFC000  }
0x4a: {  	[tilespmem:s2], [sflag:$0x3] =	stream.linear.gather [hbm4b:s13+s2], $0x80, $0x38;
	[tilespmem:$0x8100] =	vst v63  }
0x4b: {  	_ =	swait.ge [sflag:s3], $0x80  }
0x4c: {  	[sflag:s3] =	ssyncset.done $0x0  }
0x4d: {  	[sflag:s3] =	ssyncadd.s32 $0xFFFFFF80  }
0x4e: {  	[tilespmem:s7], [sflag:$0x1] =	stream.indirect.gather [hbm4b:s5+s6], $0x80, s2, s6, $0xb8;
	[tilespmem:$0x8100] =	vst v63  }
0x4f: {  	_ =	swait.ge [sflag:s14], $0x4000  }
0x50: {  	[sflag:s14] =	ssyncset.done $0x0  }
0x51: {  	[sflag:s14] =	ssyncadd.s32 $0xFFFFC000  }
0x52: {  	[hbm4b:s15+s2] =	stream.linear.scatter [tilespmem:s10], [sflag:$0x3], $0x4000, $0x38;
	[tilespmem:$0x8100] =	vst v63  }
0x53: {  	_ =	swait.ge [sflag:s3], $0x4000  }
0x54: {  	[sflag:s3] =	ssyncset.done $0x0  }
0x55: {  	[sflag:s3] =	ssyncadd.s32 $0xFFFFC000  }
0x56: {  	[tilespmem:s6], [sflag:$0x3] =	stream.linear.gather [hbm4b:s16+s2], $0x80, $0x38;
	[tilespmem:$0x8100] =	vst v63  }
0x57: {  	_ =	swait.ge [sflag:s3], $0x80  }
0x58: {  	[sflag:s3] =	ssyncset.done $0x0  }
0x59: {  	[sflag:s3] =	ssyncadd.s32 $0xFFFFFF80  }
0x5a: {  	[tilespmem:s10], [sflag:$0x2] =	stream.indirect.gather [hbm4b:s9+s6], $0x80, s6, s6, $0xb8;
	[tilespmem:$0x8100] =	vst v63  }
0x5b: {  	_ =	swait.ge [sflag:s11], $0x4000  }
0x5c: {  	[sflag:s11] =	ssyncset.done $0x0  }
0x5d: {  	[sflag:s11] =	ssyncadd.s32 $0xFFFFC000  }
0x5e: {  	[hbm4b:s17+s2] =	stream.linear.scatter [tilespmem:s7], [sflag:$0x3], $0x4000, $0x38;
	[tilespmem:$0x8100] =	vst v63  }
0x5f: {  	_ =	swait.ge [sflag:s3], $0x4000  }
0x60: {  	[sflag:s3] =	ssyncset.done $0x0  }
0x61: {  	[sflag:s3] =	ssyncadd.s32 $0xFFFFC000  }
0x62: {  	_ =	swait.ge [sflag:s14], $0x4000  }
.Ltmp1:
0x63: {  	[sflag:s14] =	ssyncset.done $0x0;
	(pc) =	sbr.rel @p0 .LBB2_1-.Ltmp1, $4  }
0x64: {  	[sflag:s14] =	ssyncadd.s32 $0xFFFFC000  }
0x65: {  	[hbm4b:s18+s2] =	stream.linear.scatter [tilespmem:s10], [sflag:$0x3], $0x4000, $0x38;
	[tilespmem:$0x8100] =	vst v63  }
0x66: {  	_ =	swait.ge [sflag:s3], $0x4000  }
0x67: {  	[sflag:s3] =	ssyncset.done $0x0  }
.LBB2_2:
0x68: {  	[sflag:s3] =	ssyncadd.s32 $0xFFFFC000  }
0x69: {  	_ =	sfence.sel $0x180000  }
0x6a: {  	[bflag:$0x0] =	sbarrier.arrive $0xFFFF  }
0x6b: {  	p0 =	sne.s32 s0, $0x0;
	_ =	strace $0x90000047  }
0x6c: {  	s0 =	sadd.s32 @!p0 $0x100000, s1;
	[bflag:$0x2] =	sbarrier.arrive $0xFFFF  }
0x6d: {  	[sflag:s0] =	ssyncadd.tile.s32 @!p0 $0x1;
	_ =	shalt  }
.Lfunc_end2:
_tile_overlayer_lowered:
.L_overlay_start_2:
0x6e: {  	(tag) =	ssettag $0x2  }
0x6f: {  	s0 =	rddreg [dreg:$0x0];
	s2 =	stileid.u32  }
0x70: {  	s1 =	rddreg [dreg:$0x1];
	p0 =	sne.s32 s2, $0x0  }
0x71: {  	s3 =	rddreg [dreg:$0x2];
	[bflag:$0x3] =	sbarrier.arrive $0xFFFF;
	s2 =	simm.s32 @!p0 $0x1C03  }
0x72: {  	[timem:s3], [sflag:s2] =	dma.local @!p0 [hbm:s0], s1  }
0x73: {  	s0 =	simm.s32 @!p0 $0x3  }
0x74: {  	_ =	swait.ge @!p0 [sflag:s0], s1  }
0x75: {  	s1 =	ssub.s32 @!p0 $0x0, s1;
	[sflag:s0] =	ssyncset.done @!p0 $0x0  }
0x76: {  	[sflag:s0] =	ssyncadd.s32 @!p0 s1  }
0x77: {  	[bflag:$0x3] =	sbarrier.arrive $0xFFFF  }
0x78: {  	_ =	shalt  }

</sc_bundles>
